<compile_context>
chip_gen: v7x
topology: tpu7x:2x2x1
jax: 0.10.2.dev20260603
libtpu: 0.0.44.dev20260713+nightly
codegen_flags: <defaults>
</compile_context>

<pallas_src>
import functools

import jax
import jax.numpy as jnp
from jax import lax
from jax.experimental import pallas as pl
from jax.experimental.pallas import tpu as pltpu
from jax.experimental.pallas import tpu_sc as plsc

N_NODES = 10000
N_EDGES = 320000
D_FEAT = 128

NC = 2
NS = 16
NW = NC * NS
EDGES_PER_TILE = N_EDGES // NW
CHUNK = 80
N_CHUNKS = EDGES_PER_TILE // CHUNK
N_PAD = 10240
ROWS_PER_TILE = N_PAD // NS


def _sc_segment_sum(dst_idx, edge_attr):
    mesh = plsc.VectorSubcoreMesh(core_axis_name="c", subcore_axis_name="s")

    @functools.partial(
        pl.kernel,
        mesh=mesh,
        out_type=jax.ShapeDtypeStruct((NC, N_PAD, D_FEAT), jnp.float32),
        scratch_types=[
            pltpu.VMEM((3, CHUNK, D_FEAT), jnp.float32),
            pltpu.VMEM((N_CHUNKS, CHUNK), jnp.int32),
            pltpu.VMEM_SHARED((N_PAD, D_FEAT), jnp.float32),
            pltpu.SemaphoreType.DMA,
            pltpu.SemaphoreType.DMA,
        ],
    )
    def seg_sum(idx_hbm, ea_hbm, out_hbm, buf_v, idx_v, acc_s,
                ld_sem, sc_sem):
        cid = lax.axis_index("c")
        sid = lax.axis_index("s")
        wid = sid * NC + cid
        base = wid * EDGES_PER_TILE
        idx_hbm = idx_hbm.at[1]

        def load(i, slot):
            return pltpu.async_copy(
                ea_hbm.at[pl.ds(base + i * CHUNK, CHUNK)], buf_v.at[slot],
                ld_sem)

        def scatter_desc(i, slot):
            return pltpu.make_async_copy(
                buf_v.at[slot], acc_s.at[idx_v.at[i]], sc_sem)

        idx_cp = pltpu.async_copy(idx_hbm.at[wid], idx_v, sc_sem)
        load(0, 0)
        load(1, 1)

        zval = jnp.zeros((16,), jnp.float32)

        def zrow(i, _):
            for j in range(D_FEAT // 16):
                buf_v[2, i, pl.ds(j * 16, 16)] = zval
            return 0

        lax.fori_loop(0, CHUNK, zrow, 0)
        row0 = sid * ROWS_PER_TILE
        for t in range(ROWS_PER_TILE // CHUNK):
            pltpu.sync_copy(buf_v.at[2],
                            acc_s.at[pl.ds(row0 + t * CHUNK, CHUNK)])
        idx_cp.wait()
        plsc.subcore_barrier()

        def body(i, _):
            slot = lax.rem(i, 3)
            pltpu.make_async_copy(
                ea_hbm.at[pl.ds(base, CHUNK)], buf_v.at[slot], ld_sem
            ).wait()

            @pl.when(i > 0)
            def _():
                scatter_desc(i - 1, lax.rem(i - 1, 3)).wait()

            scatter_desc(i, slot).start(add=True)

            @pl.when(i + 2 < N_CHUNKS)
            def _():
                load(i + 2, lax.rem(i + 2, 3))
            return 0

        lax.fori_loop(0, N_CHUNKS, body, 0)
        scatter_desc(N_CHUNKS - 1, lax.rem(N_CHUNKS - 1, 3)).wait()
        plsc.subcore_barrier()

        for t in range(ROWS_PER_TILE // CHUNK):
            r = row0 + t * CHUNK
            pltpu.sync_copy(acc_s.at[pl.ds(r, CHUNK)], buf_v.at[0])
            pltpu.sync_copy(buf_v.at[0], out_hbm.at[cid, pl.ds(r, CHUNK)])

    return seg_sum(dst_idx, edge_attr)


def _bdot(a, b):
    return jnp.dot(a.astype(jnp.bfloat16), b.astype(jnp.bfloat16),
                   preferred_element_type=jnp.float32)


def _mlp_body(x_ref, a0_ref, a1_ref, w1_ref, b1_ref, w2_ref, b2_ref,
              w3_ref, b3_ref, o_ref):
    xb = x_ref[...]
    agg = a0_ref[0] + a1_ref[0]
    h = _bdot(xb, w1_ref[0:D_FEAT, :]) + _bdot(agg, w1_ref[D_FEAT:, :])
    h = h + b1_ref[...]
    h = h * jax.nn.sigmoid(h)
    h = _bdot(h, w2_ref[...]) + b2_ref[...]
    h = h * jax.nn.sigmoid(h)
    o_ref[...] = xb + _bdot(h, w3_ref[...]) + b3_ref[...]


def _tc_mlp(x, partials, W1, b1, W2, b2, W3, b3):
    BLK = 2000
    grid = (N_NODES // BLK,)
    rowspec = pl.BlockSpec((BLK, D_FEAT), lambda i: (i, 0))
    pspec = lambda c: pl.BlockSpec((1, BLK, D_FEAT), lambda i: (c, i, 0))
    whole = lambda shape: pl.BlockSpec(shape, lambda i: (0,) * len(shape))
    return pl.pallas_call(
        _mlp_body,
        grid=grid,
        in_specs=[
            rowspec, pspec(0), pspec(1),
            whole(W1.shape), whole(b1.shape),
            whole(W2.shape), whole(b2.shape),
            whole(W3.shape), whole(b3.shape),
        ],
        out_specs=rowspec,
        out_shape=jax.ShapeDtypeStruct((N_NODES, D_FEAT), jnp.float32),
    )(x, partials, partials, W1, b1, W2, b2, W3, b3)


def kernel(x, edge_index, edge_attr, W1, b1, W2, b2, W3, b3):
    dst_idx = edge_index.reshape(2, NW, N_CHUNKS, CHUNK)
    partials = _sc_segment_sum(dst_idx, edge_attr)
    return _tc_mlp(x, partials,
                   W1, b1.reshape(1, -1), W2, b2.reshape(1, -1),
                   W3, b3.reshape(1, -1))

# --- scband reference (transcript-rebuilt; emitter-appended) ---
"""Pipeline reference for scband-physics-node-processor-66554813219004 (READ-ONLY COPY).

The authoritative reference and input builder live on the scoring server;
editing this copy changes nothing except your own understanding.
"""

import jax, jax.numpy as jnp
import numpy as np

N_NODES = 10000
N_EDGES = 320000
D_FEAT = 128
D_IN = 256
D_HID = 256
D_OUT = 128

def setup_inputs(seed: int = 0) -> dict:
    key = jax.random.key(seed)
    ks = jax.random.split(key, 10)
    x = jax.random.normal(ks[0], (N_NODES, D_FEAT), dtype=jnp.float32)
    edge_index = jax.random.randint(ks[1], (2, N_EDGES), 0, N_NODES, dtype=jnp.int32)
    edge_attr = jax.random.normal(ks[2], (N_EDGES, D_FEAT), dtype=jnp.float32)
    W1 = jax.random.normal(ks[3], (D_IN, D_HID), dtype=jnp.float32) / jnp.sqrt(D_IN)
    b1 = jnp.zeros((D_HID,), dtype=jnp.float32)
    W2 = jax.random.normal(ks[4], (D_HID, D_HID), dtype=jnp.float32) / jnp.sqrt(D_HID)
    b2 = jnp.zeros((D_HID,), dtype=jnp.float32)
    W3 = jax.random.normal(ks[5], (D_HID, D_OUT), dtype=jnp.float32) / jnp.sqrt(D_HID)
    b3 = jnp.zeros((D_OUT,), dtype=jnp.float32)
    return {"x": x, "edge_index": edge_index, "edge_attr": edge_attr,
            "W1": W1, "b1": b1, "W2": W2, "b2": b2, "W3": W3, "b3": b3}

def reference(x, edge_index, edge_attr, W1, b1, W2, b2, W3, b3):
    # scatter_add of edge messages onto destination nodes
    r_idx = edge_index[1]
    agg_edge = jax.ops.segment_sum(edge_attr, r_idx, num_segments=x.shape[0])
    collected = jnp.concatenate([x, agg_edge], axis=1)
    # MLP: Linear -> SiLU -> Linear -> SiLU -> Linear (hidden_layers=[hidden_dim]*num_layers)
    h = jax.nn.silu(collected @ W1 + b1)
    h = jax.nn.silu(h @ W2 + b2)
    delta_u = h @ W3 + b3
    new_u = x[:, -D_OUT:] + delta_u
    x_ = jnp.concatenate([x[:, :-D_OUT], new_u], axis=-1)
    return x_

if __name__ == "__main__":
    import jax
    _d = setup_inputs()
    print(jax.jit(kernel)(*tuple(_d.values())))

</pallas_src>

<mosaic_0001>
#map = affine_map<(d0, d1) -> (0, 0, 0, 0)>
#map1 = affine_map<(d0, d1) -> (0, 0)>
#map2 = affine_map<(d0, d1) -> (0, 0, 0)>
module attributes {stable_mosaic.version = 14 : i64} {
  func.func @seg_sum(%arg0: i32, %arg1: i32, %arg2: memref<2x32x125x80xi32, #tpu.memory_space<hbm>>, %arg3: memref<320000x128xf32, #tpu.memory_space<hbm>>, %arg4: memref<2x10240x128xf32, #tpu.memory_space<hbm>>, %arg5: memref<3x80x128xf32, #tpu.memory_space<vmem>>, %arg6: memref<125x80xi32, #tpu.memory_space<vmem>>, %arg7: memref<10240x128xf32, #tpu.memory_space<vmem_shared>>, %arg8: memref<!tpu.dma_semaphore, #tpu.memory_space<semaphore_mem>>, %arg9: memref<!tpu.dma_semaphore, #tpu.memory_space<semaphore_mem>>) attributes {dimension_semantics = [#tpu.dimension_semantics<core_parallel>, #tpu.dimension_semantics<subcore_parallel>], iteration_bounds = array<i64: 2, 16>, scalar_prefetch = 0 : i64, scratch_operands = 5 : i64, tpu.core_type = #tpu.core_type<sc_vector_subcore>, window_params = [{transform_indices = #map}, {transform_indices = #map1}, {transform_indices = #map2}]} {
    %mul3A = arith.constant 2 : i32
    %mul3A_0 = arith.muli %arg1, %mul3A : i32
    %add3A = arith.addi %mul3A_0, %arg0 : i32
    %mul3A_1 = arith.constant 10000 : i32
    %mul3A_2 = arith.muli %add3A, %mul3A_1 : i32
    %dma_start3A = arith.constant 1 : i32
    %dma_start3A_3 = arith.constant 0 : i32
    %dma_start3A_4 = arith.constant 0 : i32
    %dma_start3A_5 = arith.constant 0 : i32
    %dma_start3A_6 = tpu.memref_slice %arg2[%dma_start3A, %dma_start3A_3, %dma_start3A_4, %dma_start3A_5] : memref<2x32x125x80xi32, #tpu.memory_space<hbm>> -> memref<1x32x125x80xi32, #tpu.memory_space<hbm>>
    %dma_start3A_7 = tpu.memref_squeeze %dma_start3A_6 : memref<1x32x125x80xi32, #tpu.memory_space<hbm>> -> memref<32x125x80xi32, #tpu.memory_space<hbm>>
    %dma_start3A_8 = arith.constant 0 : i32
    %dma_start3A_9 = arith.constant 0 : i32
    %dma_start3A_10 = tpu.memref_slice %dma_start3A_7[%add3A, %dma_start3A_8, %dma_start3A_9] : memref<32x125x80xi32, #tpu.memory_space<hbm>> -> memref<1x125x80xi32, #tpu.memory_space<hbm>>
    %dma_start3A_11 = tpu.memref_squeeze %dma_start3A_10 : memref<1x125x80xi32, #tpu.memory_space<hbm>> -> memref<125x80xi32, #tpu.memory_space<hbm>>
    %dma_start3A_12 = arith.constant 0 : i32
    %dma_start3A_13 = arith.constant 0 : i32
    %dma_start3A_14 = arith.constant 0 : i32
    %dma_start3A_15 = tpu.memref_slice %arg2[%dma_start3A, %dma_start3A_12, %dma_start3A_13, %dma_start3A_14] : memref<2x32x125x80xi32, #tpu.memory_space<hbm>> -> memref<1x32x125x80xi32, #tpu.memory_space<hbm>>
    %dma_start3A_16 = tpu.memref_squeeze %dma_start3A_15 : memref<1x32x125x80xi32, #tpu.memory_space<hbm>> -> memref<32x125x80xi32, #tpu.memory_space<hbm>>
    %dma_start3A_17 = arith.constant 0 : i32
    %dma_start3A_18 = arith.constant 0 : i32
    %dma_start3A_19 = tpu.memref_slice %dma_start3A_16[%add3A, %dma_start3A_17, %dma_start3A_18] : memref<32x125x80xi32, #tpu.memory_space<hbm>> -> memref<1x125x80xi32, #tpu.memory_space<hbm>>
    %dma_start3A_20 = tpu.memref_squeeze %dma_start3A_19 : memref<1x125x80xi32, #tpu.memory_space<hbm>> -> memref<125x80xi32, #tpu.memory_space<hbm>>
    tpu.enqueue_dma source(%dma_start3A_20 : memref<125x80xi32, #tpu.memory_space<hbm>>) target(%arg6 : memref<125x80xi32, #tpu.memory_space<vmem>>) target_semaphore(%arg9 : memref<!tpu.dma_semaphore, #tpu.memory_space<semaphore_mem>>)
    %add3A_21 = arith.constant 0 : i32
    %add3A_22 = arith.addi %mul3A_2, %add3A_21 : i32
    %dma_start3A_23 = arith.constant 0 : i32
    %dma_start3A_24 = arith.constant 0 : i32
    %dma_start3A_25 = arith.constant 0 : i32
    %dma_start3A_26 = tpu.memref_slice %arg5[%dma_start3A_23, %dma_start3A_24, %dma_start3A_25] : memref<3x80x128xf32, #tpu.memory_space<vmem>> -> memref<1x80x128xf32, #tpu.memory_space<vmem>>
    %dma_start3A_27 = tpu.memref_squeeze %dma_start3A_26 : memref<1x80x128xf32, #tpu.memory_space<vmem>> -> memref<80x128xf32, #tpu.memory_space<vmem>>
    %dma_start3A_28 = arith.constant 0 : i32
    %dma_start3A_29 = tpu.memref_slice %arg3[%add3A_22, %dma_start3A_28] : memref<320000x128xf32, #tpu.memory_space<hbm>> -> memref<80x128xf32, #tpu.memory_space<hbm>>
    %dma_start3A_30 = arith.constant 0 : i32
    %dma_start3A_31 = arith.constant 0 : i32
    %dma_start3A_32 = tpu.memref_slice %arg5[%dma_start3A_23, %dma_start3A_30, %dma_start3A_31] : memref<3x80x128xf32, #tpu.memory_space<vmem>> -> memref<1x80x128xf32, #tpu.memory_space<vmem>>
    %dma_start3A_33 = tpu.memref_squeeze %dma_start3A_32 : memref<1x80x128xf32, #tpu.memory_space<vmem>> -> memref<80x128xf32, #tpu.memory_space<vmem>>
    %dma_start3A_34 = arith.constant 0 : i32
    %dma_start3A_35 = tpu.memref_slice %arg3[%add3A_22, %dma_start3A_34] : memref<320000x128xf32, #tpu.memory_space<hbm>> -> memref<80x128xf32, #tpu.memory_space<hbm>>
    tpu.enqueue_dma source(%dma_start3A_35 : memref<80x128xf32, #tpu.memory_space<hbm>>) target(%dma_start3A_33 : memref<80x128xf32, #tpu.memory_space<vmem>>) target_semaphore(%arg8 : memref<!tpu.dma_semaphore, #tpu.memory_space<semaphore_mem>>)
    %add3A_36 = arith.constant 80 : i32
    %add3A_37 = arith.addi %mul3A_2, %add3A_36 : i32
    %dma_start3A_38 = arith.constant 1 : i32
    %dma_start3A_39 = arith.constant 0 : i32
    %dma_start3A_40 = arith.constant 0 : i32
    %dma_start3A_41 = tpu.memref_slice %arg5[%dma_start3A_38, %dma_start3A_39, %dma_start3A_40] : memref<3x80x128xf32, #tpu.memory_space<vmem>> -> memref<1x80x128xf32, #tpu.memory_space<vmem>>
    %dma_start3A_42 = tpu.memref_squeeze %dma_start3A_41 : memref<1x80x128xf32, #tpu.memory_space<vmem>> -> memref<80x128xf32, #tpu.memory_space<vmem>>
    %dma_start3A_43 = arith.constant 0 : i32
    %dma_start3A_44 = tpu.memref_slice %arg3[%add3A_37, %dma_start3A_43] : memref<320000x128xf32, #tpu.memory_space<hbm>> -> memref<80x128xf32, #tpu.memory_space<hbm>>
    %dma_start3A_45 = arith.constant 0 : i32
    %dma_start3A_46 = arith.constant 0 : i32
    %dma_start3A_47 = tpu.memref_slice %arg5[%dma_start3A_38, %dma_start3A_45, %dma_start3A_46] : memref<3x80x128xf32, #tpu.memory_space<vmem>> -> memref<1x80x128xf32, #tpu.memory_space<vmem>>
    %dma_start3A_48 = tpu.memref_squeeze %dma_start3A_47 : memref<1x80x128xf32, #tpu.memory_space<vmem>> -> memref<80x128xf32, #tpu.memory_space<vmem>>
    %dma_start3A_49 = arith.constant 0 : i32
    %dma_start3A_50 = tpu.memref_slice %arg3[%add3A_37, %dma_start3A_49] : memref<320000x128xf32, #tpu.memory_space<hbm>> -> memref<80x128xf32, #tpu.memory_space<hbm>>
    tpu.enqueue_dma source(%dma_start3A_50 : memref<80x128xf32, #tpu.memory_space<hbm>>) target(%dma_start3A_48 : memref<80x128xf32, #tpu.memory_space<vmem>>) target_semaphore(%arg8 : memref<!tpu.dma_semaphore, #tpu.memory_space<semaphore_mem>>)
    %broadcast_in_dim3A = arith.constant 0.000000e+00 : f32
    %broadcast_in_dim3A_51 = vector.broadcast %broadcast_in_dim3A : f32 to vector<16xf32>
    %scan3A = arith.constant 0 : i32
    %scan3A_52 = arith.constant 0 : i32
    %scan3A_53 = arith.constant 80 : i32
    %scan3A_54 = arith.addi %scan3A_52, %scan3A_53 : i32
    %scan3A_55 = arith.constant 1 : i32
    %scan3A_56 = scf.for %scan3A_154 = %scan3A_52 to %scan3A_54 step %scan3A_55 iter_args(%scan3A_155 = %scan3A) -> (i32)  : i32 {
      %swap3A = arith.constant 2 : i32
      %swap3A_156 = arith.index_cast %swap3A : i32 to index
      %swap3A_157 = arith.index_cast %scan3A_154 : i32 to index
      %swap3A_158 = arith.constant 0 : index
      %swap3A_159 = tpu.vector_load %arg5[%swap3A_156, %swap3A_157, %swap3A_158] {strides = array<i32>} : memref<3x80x128xf32, #tpu.memory_space<vmem>>, vector<1x1x16xf32>,
      %swap3A_160 = vector.shape_cast %swap3A_159 : vector<1x1x16xf32> to vector<16xf32>
      %swap3A_161 = vector.shape_cast %broadcast_in_dim3A_51 : vector<16xf32> to vector<1x1x16xf32>
      tpu.vector_store %arg5[%swap3A_156, %swap3A_157, %swap3A_158], %swap3A_161 {strides = array<i32>} : memref<3x80x128xf32, #tpu.memory_space<vmem>>, vector<1x1x16xf32>,
      %swap3A_162 = arith.constant 2 : i32
      %swap3A_163 = arith.index_cast %swap3A_162 : i32 to index
      %swap3A_164 = arith.index_cast %scan3A_154 : i32 to index
      %swap3A_165 = arith.constant 16 : index
      %swap3A_166 = tpu.vector_load %arg5[%swap3A_163, %swap3A_164, %swap3A_165] {strides = array<i32>} : memref<3x80x128xf32, #tpu.memory_space<vmem>>, vector<1x1x16xf32>,
      %swap3A_167 = vector.shape_cast %swap3A_166 : vector<1x1x16xf32> to vector<16xf32>
      %swap3A_168 = vector.shape_cast %broadcast_in_dim3A_51 : vector<16xf32> to vector<1x1x16xf32>
      tpu.vector_store %arg5[%swap3A_163, %swap3A_164, %swap3A_165], %swap3A_168 {strides = array<i32>} : memref<3x80x128xf32, #tpu.memory_space<vmem>>, vector<1x1x16xf32>,
      %swap3A_169 = arith.constant 2 : i32
      %swap3A_170 = arith.index_cast %swap3A_169 : i32 to index
      %swap3A_171 = arith.index_cast %scan3A_154 : i32 to index
      %swap3A_172 = arith.constant 32 : index
      %swap3A_173 = tpu.vector_load %arg5[%swap3A_170, %swap3A_171, %swap3A_172] {strides = array<i32>} : memref<3x80x128xf32, #tpu.memory_space<vmem>>, vector<1x1x16xf32>,
      %swap3A_174 = vector.shape_cast %swap3A_173 : vector<1x1x16xf32> to vector<16xf32>
      %swap3A_175 = vector.shape_cast %broadcast_in_dim3A_51 : vector<16xf32> to vector<1x1x16xf32>
      tpu.vector_store %arg5[%swap3A_170, %swap3A_171, %swap3A_172], %swap3A_175 {strides = array<i32>} : memref<3x80x128xf32, #tpu.memory_space<vmem>>, vector<1x1x16xf32>,
      %swap3A_176 = arith.constant 2 : i32
      %swap3A_177 = arith.index_cast %swap3A_176 : i32 to index
      %swap3A_178 = arith.index_cast %scan3A_154 : i32 to index
      %swap3A_179 = arith.constant 48 : index
      %swap3A_180 = tpu.vector_load %arg5[%swap3A_177, %swap3A_178, %swap3A_179] {strides = array<i32>} : memref<3x80x128xf32, #tpu.memory_space<vmem>>, vector<1x1x16xf32>,
      %swap3A_181 = vector.shape_cast %swap3A_180 : vector<1x1x16xf32> to vector<16xf32>
      %swap3A_182 = vector.shape_cast %broadcast_in_dim3A_51 : vector<16xf32> to vector<1x1x16xf32>
      tpu.vector_store %arg5[%swap3A_177, %swap3A_178, %swap3A_179], %swap3A_182 {strides = array<i32>} : memref<3x80x128xf32, #tpu.memory_space<vmem>>, vector<1x1x16xf32>,
      %swap3A_183 = arith.constant 2 : i32
      %swap3A_184 = arith.index_cast %swap3A_183 : i32 to index
      %swap3A_185 = arith.index_cast %scan3A_154 : i32 to index
      %swap3A_186 = arith.constant 64 : index
      %swap3A_187 = tpu.vector_load %arg5[%swap3A_184, %swap3A_185, %swap3A_186] {strides = array<i32>} : memref<3x80x128xf32, #tpu.memory_space<vmem>>, vector<1x1x16xf32>,
      %swap3A_188 = vector.shape_cast %swap3A_187 : vector<1x1x16xf32> to vector<16xf32>
      %swap3A_189 = vector.shape_cast %broadcast_in_dim3A_51 : vector<16xf32> to vector<1x1x16xf32>
      tpu.vector_store %arg5[%swap3A_184, %swap3A_185, %swap3A_186], %swap3A_189 {strides = array<i32>} : memref<3x80x128xf32, #tpu.memory_space<vmem>>, vector<1x1x16xf32>,
      %swap3A_190 = arith.constant 2 : i32
      %swap3A_191 = arith.index_cast %swap3A_190 : i32 to index
      %swap3A_192 = arith.index_cast %scan3A_154 : i32 to index
      %swap3A_193 = arith.constant 80 : index
      %swap3A_194 = tpu.vector_load %arg5[%swap3A_191, %swap3A_192, %swap3A_193] {strides = array<i32>} : memref<3x80x128xf32, #tpu.memory_space<vmem>>, vector<1x1x16xf32>,
      %swap3A_195 = vector.shape_cast %swap3A_194 : vector<1x1x16xf32> to vector<16xf32>
      %swap3A_196 = vector.shape_cast %broadcast_in_dim3A_51 : vector<16xf32> to vector<1x1x16xf32>
      tpu.vector_store %arg5[%swap3A_191, %swap3A_192, %swap3A_193], %swap3A_196 {strides = array<i32>} : memref<3x80x128xf32, #tpu.memory_space<vmem>>, vector<1x1x16xf32>,
      %swap3A_197 = arith.constant 2 : i32
      %swap3A_198 = arith.index_cast %swap3A_197 : i32 to index
      %swap3A_199 = arith.index_cast %scan3A_154 : i32 to index
      %swap3A_200 = arith.constant 96 : index
      %swap3A_201 = tpu.vector_load %arg5[%swap3A_198, %swap3A_199, %swap3A_200] {strides = array<i32>} : memref<3x80x128xf32, #tpu.memory_space<vmem>>, vector<1x1x16xf32>,
      %swap3A_202 = vector.shape_cast %swap3A_201 : vector<1x1x16xf32> to vector<16xf32>
      %swap3A_203 = vector.shape_cast %broadcast_in_dim3A_51 : vector<16xf32> to vector<1x1x16xf32>
      tpu.vector_store %arg5[%swap3A_198, %swap3A_199, %swap3A_200], %swap3A_203 {strides = array<i32>} : memref<3x80x128xf32, #tpu.memory_space<vmem>>, vector<1x1x16xf32>,
      %swap3A_204 = arith.constant 2 : i32
      %swap3A_205 = arith.index_cast %swap3A_204 : i32 to index
      %swap3A_206 = arith.index_cast %scan3A_154 : i32 to index
      %swap3A_207 = arith.constant 112 : index
      %swap3A_208 = tpu.vector_load %arg5[%swap3A_205, %swap3A_206, %swap3A_207] {strides = array<i32>} : memref<3x80x128xf32, #tpu.memory_space<vmem>>, vector<1x1x16xf32>,
      %swap3A_209 = vector.shape_cast %swap3A_208 : vector<1x1x16xf32> to vector<16xf32>
      %swap3A_210 = vector.shape_cast %broadcast_in_dim3A_51 : vector<16xf32> to vector<1x1x16xf32>
      tpu.vector_store %arg5[%swap3A_205, %swap3A_206, %swap3A_207], %swap3A_210 {strides = array<i32>} : memref<3x80x128xf32, #tpu.memory_space<vmem>>, vector<1x1x16xf32>,
      %scan3A_211 = arith.constant 0 : i32
      scf.yield %scan3A_211 : i32
    }
    %scan3A_57 = arith.constant 80 : i32
    %mul3A_58 = arith.constant 640 : i32
    %mul3A_59 = arith.muli %arg1, %mul3A_58 : i32
    %add3A_60 = arith.constant 0 : i32
    %add3A_61 = arith.addi %mul3A_59, %add3A_60 : i32
    %run_scoped3A = arith.constant 2 : i32
    "tpu.region"() ({
      %run_scoped3A_154 = tpu.sem_alloc : memref<!tpu.dma_semaphore, #tpu.memory_space<semaphore_mem>>
      %dma_start3A_155 = arith.constant 0 : i32
      %dma_start3A_156 = arith.constant 0 : i32
      %dma_start3A_157 = tpu.memref_slice %arg5[%run_scoped3A, %dma_start3A_155, %dma_start3A_156] : memref<3x80x128xf32, #tpu.memory_space<vmem>> -> memref<1x80x128xf32, #tpu.memory_space<vmem>>
      %dma_start3A_158 = tpu.memref_squeeze %dma_start3A_157 : memref<1x80x128xf32, #tpu.memory_space<vmem>> -> memref<80x128xf32, #tpu.memory_space<vmem>>
      %dma_start3A_159 = arith.constant 0 : i32
      %dma_start3A_160 = tpu.memref_slice %arg7[%add3A_61, %dma_start3A_159] : memref<10240x128xf32, #tpu.memory_space<vmem_shared>> -> memref<80x128xf32, #tpu.memory_space<vmem_shared>>
      %dma_start3A_161 = arith.constant 0 : i32
      %dma_start3A_162 = tpu.memref_slice %arg7[%add3A_61, %dma_start3A_161] : memref<10240x128xf32, #tpu.memory_space<vmem_shared>> -> memref<80x128xf32, #tpu.memory_space<vmem_shared>>
      %dma_start3A_163 = arith.constant 0 : i32
      %dma_start3A_164 = arith.constant 0 : i32
      %dma_start3A_165 = tpu.memref_slice %arg5[%run_scoped3A, %dma_start3A_163, %dma_start3A_164] : memref<3x80x128xf32, #tpu.memory_space<vmem>> -> memref<1x80x128xf32, #tpu.memory_space<vmem>>
      %dma_start3A_166 = tpu.memref_squeeze %dma_start3A_165 : memref<1x80x128xf32, #tpu.memory_space<vmem>> -> memref<80x128xf32, #tpu.memory_space<vmem>>
      tpu.enqueue_dma source(%dma_start3A_166 : memref<80x128xf32, #tpu.memory_space<vmem>>) target(%dma_start3A_162 : memref<80x128xf32, #tpu.memory_space<vmem_shared>>) target_semaphore(%run_scoped3A_154 : memref<!tpu.dma_semaphore, #tpu.memory_space<semaphore_mem>>)
      %dma_wait3A_167 = arith.constant 0 : i32
      %dma_wait3A_168 = arith.constant 0 : i32
      %dma_wait3A_169 = tpu.memref_slice %arg5[%run_scoped3A, %dma_wait3A_167, %dma_wait3A_168] : memref<3x80x128xf32, #tpu.memory_space<vmem>> -> memref<1x80x128xf32, #tpu.memory_space<vmem>>
      %dma_wait3A_170 = tpu.memref_squeeze %dma_wait3A_169 : memref<1x80x128xf32, #tpu.memory_space<vmem>> -> memref<80x128xf32, #tpu.memory_space<vmem>>
      %dma_wait3A_171 = arith.constant 0 : i32
      %dma_wait3A_172 = tpu.memref_slice %arg7[%add3A_61, %dma_wait3A_171] : memref<10240x128xf32, #tpu.memory_space<vmem_shared>> -> memref<80x128xf32, #tpu.memory_space<vmem_shared>>
      %dma_wait3A_173 = arith.constant 0 : i32
      %dma_wait3A_174 = tpu.memref_slice %arg7[%add3A_61, %dma_wait3A_173] : memref<10240x128xf32, #tpu.memory_space<vmem_shared>> -> memref<80x128xf32, #tpu.memory_space<vmem_shared>>
      %dma_wait3A_175 = arith.constant 0 : i32
      %dma_wait3A_176 = arith.constant 0 : i32
      %dma_wait3A_177 = tpu.memref_slice %arg5[%run_scoped3A, %dma_wait3A_175, %dma_wait3A_176] : memref<3x80x128xf32, #tpu.memory_space<vmem>> -> memref<1x80x128xf32, #tpu.memory_space<vmem>>
      %dma_wait3A_178 = tpu.memref_squeeze %dma_wait3A_177 : memref<1x80x128xf32, #tpu.memory_space<vmem>> -> memref<80x128xf32, #tpu.memory_space<vmem>>
      tpu.wait_dma2 semaphore(%run_scoped3A_154 : memref<!tpu.dma_semaphore, #tpu.memory_space<semaphore_mem>>) src(%dma_wait3A_178 : memref<80x128xf32, #tpu.memory_space<vmem>>) dst(%dma_wait3A_174 : memref<80x128xf32, #tpu.memory_space<vmem_shared>>)
      tpu.yield
    }) : () -> ()
    %add3A_62 = arith.constant 80 : i32
    %add3A_63 = arith.addi %mul3A_59, %add3A_62 : i32
    %run_scoped3A_64 = arith.constant 2 : i32
    "tpu.region"() ({
      %run_scoped3A_154 = tpu.sem_alloc : memref<!tpu.dma_semaphore, #tpu.memory_space<semaphore_mem>>
      %dma_start3A_155 = arith.constant 0 : i32
      %dma_start3A_156 = arith.constant 0 : i32
      %dma_start3A_157 = tpu.memref_slice %arg5[%run_scoped3A_64, %dma_start3A_155, %dma_start3A_156] : memref<3x80x128xf32, #tpu.memory_space<vmem>> -> memref<1x80x128xf32, #tpu.memory_space<vmem>>
      %dma_start3A_158 = tpu.memref_squeeze %dma_start3A_157 : memref<1x80x128xf32, #tpu.memory_space<vmem>> -> memref<80x128xf32, #tpu.memory_space<vmem>>
      %dma_start3A_159 = arith.constant 0 : i32
      %dma_start3A_160 = tpu.memref_slice %arg7[%add3A_63, %dma_start3A_159] : memref<10240x128xf32, #tpu.memory_space<vmem_shared>> -> memref<80x128xf32, #tpu.memory_space<vmem_shared>>
      %dma_start3A_161 = arith.constant 0 : i32
      %dma_start3A_162 = tpu.memref_slice %arg7[%add3A_63, %dma_start3A_161] : memref<10240x128xf32, #tpu.memory_space<vmem_shared>> -> memref<80x128xf32, #tpu.memory_space<vmem_shared>>
      %dma_start3A_163 = arith.constant 0 : i32
      %dma_start3A_164 = arith.constant 0 : i32
      %dma_start3A_165 = tpu.memref_slice %arg5[%run_scoped3A_64, %dma_start3A_163, %dma_start3A_164] : memref<3x80x128xf32, #tpu.memory_space<vmem>> -> memref<1x80x128xf32, #tpu.memory_space<vmem>>
      %dma_start3A_166 = tpu.memref_squeeze %dma_start3A_165 : memref<1x80x128xf32, #tpu.memory_space<vmem>> -> memref<80x128xf32, #tpu.memory_space<vmem>>
      tpu.enqueue_dma source(%dma_start3A_166 : memref<80x128xf32, #tpu.memory_space<vmem>>) target(%dma_start3A_162 : memref<80x128xf32, #tpu.memory_space<vmem_shared>>) target_semaphore(%run_scoped3A_154 : memref<!tpu.dma_semaphore, #tpu.memory_space<semaphore_mem>>)
      %dma_wait3A_167 = arith.constant 0 : i32
      %dma_wait3A_168 = arith.constant 0 : i32
      %dma_wait3A_169 = tpu.memref_slice %arg5[%run_scoped3A_64, %dma_wait3A_167, %dma_wait3A_168] : memref<3x80x128xf32, #tpu.memory_space<vmem>> -> memref<1x80x128xf32, #tpu.memory_space<vmem>>
      %dma_wait3A_170 = tpu.memref_squeeze %dma_wait3A_169 : memref<1x80x128xf32, #tpu.memory_space<vmem>> -> memref<80x128xf32, #tpu.memory_space<vmem>>
      %dma_wait3A_171 = arith.constant 0 : i32
      %dma_wait3A_172 = tpu.memref_slice %arg7[%add3A_63, %dma_wait3A_171] : memref<10240x128xf32, #tpu.memory_space<vmem_shared>> -> memref<80x128xf32, #tpu.memory_space<vmem_shared>>
      %dma_wait3A_173 = arith.constant 0 : i32
      %dma_wait3A_174 = tpu.memref_slice %arg7[%add3A_63, %dma_wait3A_173] : memref<10240x128xf32, #tpu.memory_space<vmem_shared>> -> memref<80x128xf32, #tpu.memory_space<vmem_shared>>
      %dma_wait3A_175 = arith.constant 0 : i32
      %dma_wait3A_176 = arith.constant 0 : i32
      %dma_wait3A_177 = tpu.memref_slice %arg5[%run_scoped3A_64, %dma_wait3A_175, %dma_wait3A_176] : memref<3x80x128xf32, #tpu.memory_space<vmem>> -> memref<1x80x128xf32, #tpu.memory_space<vmem>>
      %dma_wait3A_178 = tpu.memref_squeeze %dma_wait3A_177 : memref<1x80x128xf32, #tpu.memory_space<vmem>> -> memref<80x128xf32, #tpu.memory_space<vmem>>
      tpu.wait_dma2 semaphore(%run_scoped3A_154 : memref<!tpu.dma_semaphore, #tpu.memory_space<semaphore_mem>>) src(%dma_wait3A_178 : memref<80x128xf32, #tpu.memory_space<vmem>>) dst(%dma_wait3A_174 : memref<80x128xf32, #tpu.memory_space<vmem_shared>>)
      tpu.yield
    }) : () -> ()
    %add3A_65 = arith.constant 160 : i32
    %add3A_66 = arith.addi %mul3A_59, %add3A_65 : i32
    %run_scoped3A_67 = arith.constant 2 : i32
    "tpu.region"() ({
      %run_scoped3A_154 = tpu.sem_alloc : memref<!tpu.dma_semaphore, #tpu.memory_space<semaphore_mem>>
      %dma_start3A_155 = arith.constant 0 : i32
      %dma_start3A_156 = arith.constant 0 : i32
      %dma_start3A_157 = tpu.memref_slice %arg5[%run_scoped3A_67, %dma_start3A_155, %dma_start3A_156] : memref<3x80x128xf32, #tpu.memory_space<vmem>> -> memref<1x80x128xf32, #tpu.memory_space<vmem>>
      %dma_start3A_158 = tpu.memref_squeeze %dma_start3A_157 : memref<1x80x128xf32, #tpu.memory_space<vmem>> -> memref<80x128xf32, #tpu.memory_space<vmem>>
      %dma_start3A_159 = arith.constant 0 : i32
      %dma_start3A_160 = tpu.memref_slice %arg7[%add3A_66, %dma_start3A_159] : memref<10240x128xf32, #tpu.memory_space<vmem_shared>> -> memref<80x128xf32, #tpu.memory_space<vmem_shared>>
      %dma_start3A_161 = arith.constant 0 : i32
      %dma_start3A_162 = tpu.memref_slice %arg7[%add3A_66, %dma_start3A_161] : memref<10240x128xf32, #tpu.memory_space<vmem_shared>> -> memref<80x128xf32, #tpu.memory_space<vmem_shared>>
      %dma_start3A_163 = arith.constant 0 : i32
      %dma_start3A_164 = arith.constant 0 : i32
      %dma_start3A_165 = tpu.memref_slice %arg5[%run_scoped3A_67, %dma_start3A_163, %dma_start3A_164] : memref<3x80x128xf32, #tpu.memory_space<vmem>> -> memref<1x80x128xf32, #tpu.memory_space<vmem>>
      %dma_start3A_166 = tpu.memref_squeeze %dma_start3A_165 : memref<1x80x128xf32, #tpu.memory_space<vmem>> -> memref<80x128xf32, #tpu.memory_space<vmem>>
      tpu.enqueue_dma source(%dma_start3A_166 : memref<80x128xf32, #tpu.memory_space<vmem>>) target(%dma_start3A_162 : memref<80x128xf32, #tpu.memory_space<vmem_shared>>) target_semaphore(%run_scoped3A_154 : memref<!tpu.dma_semaphore, #tpu.memory_space<semaphore_mem>>)
      %dma_wait3A_167 = arith.constant 0 : i32
      %dma_wait3A_168 = arith.constant 0 : i32
      %dma_wait3A_169 = tpu.memref_slice %arg5[%run_scoped3A_67, %dma_wait3A_167, %dma_wait3A_168] : memref<3x80x128xf32, #tpu.memory_space<vmem>> -> memref<1x80x128xf32, #tpu.memory_space<vmem>>
      %dma_wait3A_170 = tpu.memref_squeeze %dma_wait3A_169 : memref<1x80x128xf32, #tpu.memory_space<vmem>> -> memref<80x128xf32, #tpu.memory_space<vmem>>
      %dma_wait3A_171 = arith.constant 0 : i32
      %dma_wait3A_172 = tpu.memref_slice %arg7[%add3A_66, %dma_wait3A_171] : memref<10240x128xf32, #tpu.memory_space<vmem_shared>> -> memref<80x128xf32, #tpu.memory_space<vmem_shared>>
      %dma_wait3A_173 = arith.constant 0 : i32
      %dma_wait3A_174 = tpu.memref_slice %arg7[%add3A_66, %dma_wait3A_173] : memref<10240x128xf32, #tpu.memory_space<vmem_shared>> -> memref<80x128xf32, #tpu.memory_space<vmem_shared>>
      %dma_wait3A_175 = arith.constant 0 : i32
      %dma_wait3A_176 = arith.constant 0 : i32
      %dma_wait3A_177 = tpu.memref_slice %arg5[%run_scoped3A_67, %dma_wait3A_175, %dma_wait3A_176] : memref<3x80x128xf32, #tpu.memory_space<vmem>> -> memref<1x80x128xf32, #tpu.memory_space<vmem>>
      %dma_wait3A_178 = tpu.memref_squeeze %dma_wait3A_177 : memref<1x80x128xf32, #tpu.memory_space<vmem>> -> memref<80x128xf32, #tpu.memory_space<vmem>>
      tpu.wait_dma2 semaphore(%run_scoped3A_154 : memref<!tpu.dma_semaphore, #tpu.memory_space<semaphore_mem>>) src(%dma_wait3A_178 : memref<80x128xf32, #tpu.memory_space<vmem>>) dst(%dma_wait3A_174 : memref<80x128xf32, #tpu.memory_space<vmem_shared>>)
      tpu.yield
    }) : () -> ()
    %add3A_68 = arith.constant 240 : i32
    %add3A_69 = arith.addi %mul3A_59, %add3A_68 : i32
    %run_scoped3A_70 = arith.constant 2 : i32
    "tpu.region"() ({
      %run_scoped3A_154 = tpu.sem_alloc : memref<!tpu.dma_semaphore, #tpu.memory_space<semaphore_mem>>
      %dma_start3A_155 = arith.constant 0 : i32
      %dma_start3A_156 = arith.constant 0 : i32
      %dma_start3A_157 = tpu.memref_slice %arg5[%run_scoped3A_70, %dma_start3A_155, %dma_start3A_156] : memref<3x80x128xf32, #tpu.memory_space<vmem>> -> memref<1x80x128xf32, #tpu.memory_space<vmem>>
      %dma_start3A_158 = tpu.memref_squeeze %dma_start3A_157 : memref<1x80x128xf32, #tpu.memory_space<vmem>> -> memref<80x128xf32, #tpu.memory_space<vmem>>
      %dma_start3A_159 = arith.constant 0 : i32
      %dma_start3A_160 = tpu.memref_slice %arg7[%add3A_69, %dma_start3A_159] : memref<10240x128xf32, #tpu.memory_space<vmem_shared>> -> memref<80x128xf32, #tpu.memory_space<vmem_shared>>
      %dma_start3A_161 = arith.constant 0 : i32
      %dma_start3A_162 = tpu.memref_slice %arg7[%add3A_69, %dma_start3A_161] : memref<10240x128xf32, #tpu.memory_space<vmem_shared>> -> memref<80x128xf32, #tpu.memory_space<vmem_shared>>
      %dma_start3A_163 = arith.constant 0 : i32
      %dma_start3A_164 = arith.constant 0 : i32
      %dma_start3A_165 = tpu.memref_slice %arg5[%run_scoped3A_70, %dma_start3A_163, %dma_start3A_164] : memref<3x80x128xf32, #tpu.memory_space<vmem>> -> memref<1x80x128xf32, #tpu.memory_space<vmem>>
      %dma_start3A_166 = tpu.memref_squeeze %dma_start3A_165 : memref<1x80x128xf32, #tpu.memory_space<vmem>> -> memref<80x128xf32, #tpu.memory_space<vmem>>
      tpu.enqueue_dma source(%dma_start3A_166 : memref<80x128xf32, #tpu.memory_space<vmem>>) target(%dma_start3A_162 : memref<80x128xf32, #tpu.memory_space<vmem_shared>>) target_semaphore(%run_scoped3A_154 : memref<!tpu.dma_semaphore, #tpu.memory_space<semaphore_mem>>)
      %dma_wait3A_167 = arith.constant 0 : i32
      %dma_wait3A_168 = arith.constant 0 : i32
      %dma_wait3A_169 = tpu.memref_slice %arg5[%run_scoped3A_70, %dma_wait3A_167, %dma_wait3A_168] : memref<3x80x128xf32, #tpu.memory_space<vmem>> -> memref<1x80x128xf32, #tpu.memory_space<vmem>>
      %dma_wait3A_170 = tpu.memref_squeeze %dma_wait3A_169 : memref<1x80x128xf32, #tpu.memory_space<vmem>> -> memref<80x128xf32, #tpu.memory_space<vmem>>
      %dma_wait3A_171 = arith.constant 0 : i32
      %dma_wait3A_172 = tpu.memref_slice %arg7[%add3A_69, %dma_wait3A_171] : memref<10240x128xf32, #tpu.memory_space<vmem_shared>> -> memref<80x128xf32, #tpu.memory_space<vmem_shared>>
      %dma_wait3A_173 = arith.constant 0 : i32
      %dma_wait3A_174 = tpu.memref_slice %arg7[%add3A_69, %dma_wait3A_173] : memref<10240x128xf32, #tpu.memory_space<vmem_shared>> -> memref<80x128xf32, #tpu.memory_space<vmem_shared>>
      %dma_wait3A_175 = arith.constant 0 : i32
      %dma_wait3A_176 = arith.constant 0 : i32
      %dma_wait3A_177 = tpu.memref_slice %arg5[%run_scoped3A_70, %dma_wait3A_175, %dma_wait3A_176] : memref<3x80x128xf32, #tpu.memory_space<vmem>> -> memref<1x80x128xf32, #tpu.memory_space<vmem>>
      %dma_wait3A_178 = tpu.memref_squeeze %dma_wait3A_177 : memref<1x80x128xf32, #tpu.memory_space<vmem>> -> memref<80x128xf32, #tpu.memory_space<vmem>>
      tpu.wait_dma2 semaphore(%run_scoped3A_154 : memref<!tpu.dma_semaphore, #tpu.memory_space<semaphore_mem>>) src(%dma_wait3A_178 : memref<80x128xf32, #tpu.memory_space<vmem>>) dst(%dma_wait3A_174 : memref<80x128xf32, #tpu.memory_space<vmem_shared>>)
      tpu.yield
    }) : () -> ()
    %add3A_71 = arith.constant 320 : i32
    %add3A_72 = arith.addi %mul3A_59, %add3A_71 : i32
    %run_scoped3A_73 = arith.constant 2 : i32
    "tpu.region"() ({
      %run_scoped3A_154 = tpu.sem_alloc : memref<!tpu.dma_semaphore, #tpu.memory_space<semaphore_mem>>
      %dma_start3A_155 = arith.constant 0 : i32
      %dma_start3A_156 = arith.constant 0 : i32
      %dma_start3A_157 = tpu.memref_slice %arg5[%run_scoped3A_73, %dma_start3A_155, %dma_start3A_156] : memref<3x80x128xf32, #tpu.memory_space<vmem>> -> memref<1x80x128xf32, #tpu.memory_space<vmem>>
      %dma_start3A_158 = tpu.memref_squeeze %dma_start3A_157 : memref<1x80x128xf32, #tpu.memory_space<vmem>> -> memref<80x128xf32, #tpu.memory_space<vmem>>
      %dma_start3A_159 = arith.constant 0 : i32
      %dma_start3A_160 = tpu.memref_slice %arg7[%add3A_72, %dma_start3A_159] : memref<10240x128xf32, #tpu.memory_space<vmem_shared>> -> memref<80x128xf32, #tpu.memory_space<vmem_shared>>
      %dma_start3A_161 = arith.constant 0 : i32
      %dma_start3A_162 = tpu.memref_slice %arg7[%add3A_72, %dma_start3A_161] : memref<10240x128xf32, #tpu.memory_space<vmem_shared>> -> memref<80x128xf32, #tpu.memory_space<vmem_shared>>
      %dma_start3A_163 = arith.constant 0 : i32
      %dma_start3A_164 = arith.constant 0 : i32
      %dma_start3A_165 = tpu.memref_slice %arg5[%run_scoped3A_73, %dma_start3A_163, %dma_start3A_164] : memref<3x80x128xf32, #tpu.memory_space<vmem>> -> memref<1x80x128xf32, #tpu.memory_space<vmem>>
      %dma_start3A_166 = tpu.memref_squeeze %dma_start3A_165 : memref<1x80x128xf32, #tpu.memory_space<vmem>> -> memref<80x128xf32, #tpu.memory_space<vmem>>
      tpu.enqueue_dma source(%dma_start3A_166 : memref<80x128xf32, #tpu.memory_space<vmem>>) target(%dma_start3A_162 : memref<80x128xf32, #tpu.memory_space<vmem_shared>>) target_semaphore(%run_scoped3A_154 : memref<!tpu.dma_semaphore, #tpu.memory_space<semaphore_mem>>)
      %dma_wait3A_167 = arith.constant 0 : i32
      %dma_wait3A_168 = arith.constant 0 : i32
      %dma_wait3A_169 = tpu.memref_slice %arg5[%run_scoped3A_73, %dma_wait3A_167, %dma_wait3A_168] : memref<3x80x128xf32, #tpu.memory_space<vmem>> -> memref<1x80x128xf32, #tpu.memory_space<vmem>>
      %dma_wait3A_170 = tpu.memref_squeeze %dma_wait3A_169 : memref<1x80x128xf32, #tpu.memory_space<vmem>> -> memref<80x128xf32, #tpu.memory_space<vmem>>
      %dma_wait3A_171 = arith.constant 0 : i32
      %dma_wait3A_172 = tpu.memref_slice %arg7[%add3A_72, %dma_wait3A_171] : memref<10240x128xf32, #tpu.memory_space<vmem_shared>> -> memref<80x128xf32, #tpu.memory_space<vmem_shared>>
      %dma_wait3A_173 = arith.constant 0 : i32
      %dma_wait3A_174 = tpu.memref_slice %arg7[%add3A_72, %dma_wait3A_173] : memref<10240x128xf32, #tpu.memory_space<vmem_shared>> -> memref<80x128xf32, #tpu.memory_space<vmem_shared>>
      %dma_wait3A_175 = arith.constant 0 : i32
      %dma_wait3A_176 = arith.constant 0 : i32
      %dma_wait3A_177 = tpu.memref_slice %arg5[%run_scoped3A_73, %dma_wait3A_175, %dma_wait3A_176] : memref<3x80x128xf32, #tpu.memory_space<vmem>> -> memref<1x80x128xf32, #tpu.memory_space<vmem>>
      %dma_wait3A_178 = tpu.memref_squeeze %dma_wait3A_177 : memref<1x80x128xf32, #tpu.memory_space<vmem>> -> memref<80x128xf32, #tpu.memory_space<vmem>>
      tpu.wait_dma2 semaphore(%run_scoped3A_154 : memref<!tpu.dma_semaphore, #tpu.memory_space<semaphore_mem>>) src(%dma_wait3A_178 : memref<80x128xf32, #tpu.memory_space<vmem>>) dst(%dma_wait3A_174 : memref<80x128xf32, #tpu.memory_space<vmem_shared>>)
      tpu.yield
    }) : () -> ()
    %add3A_74 = arith.constant 400 : i32
    %add3A_75 = arith.addi %mul3A_59, %add3A_74 : i32
    %run_scoped3A_76 = arith.constant 2 : i32
    "tpu.region"() ({
      %run_scoped3A_154 = tpu.sem_alloc : memref<!tpu.dma_semaphore, #tpu.memory_space<semaphore_mem>>
      %dma_start3A_155 = arith.constant 0 : i32
      %dma_start3A_156 = arith.constant 0 : i32
      %dma_start3A_157 = tpu.memref_slice %arg5[%run_scoped3A_76, %dma_start3A_155, %dma_start3A_156] : memref<3x80x128xf32, #tpu.memory_space<vmem>> -> memref<1x80x128xf32, #tpu.memory_space<vmem>>
      %dma_start3A_158 = tpu.memref_squeeze %dma_start3A_157 : memref<1x80x128xf32, #tpu.memory_space<vmem>> -> memref<80x128xf32, #tpu.memory_space<vmem>>
      %dma_start3A_159 = arith.constant 0 : i32
      %dma_start3A_160 = tpu.memref_slice %arg7[%add3A_75, %dma_start3A_159] : memref<10240x128xf32, #tpu.memory_space<vmem_shared>> -> memref<80x128xf32, #tpu.memory_space<vmem_shared>>
      %dma_start3A_161 = arith.constant 0 : i32
      %dma_start3A_162 = tpu.memref_slice %arg7[%add3A_75, %dma_start3A_161] : memref<10240x128xf32, #tpu.memory_space<vmem_shared>> -> memref<80x128xf32, #tpu.memory_space<vmem_shared>>
      %dma_start3A_163 = arith.constant 0 : i32
      %dma_start3A_164 = arith.constant 0 : i32
      %dma_start3A_165 = tpu.memref_slice %arg5[%run_scoped3A_76, %dma_start3A_163, %dma_start3A_164] : memref<3x80x128xf32, #tpu.memory_space<vmem>> -> memref<1x80x128xf32, #tpu.memory_space<vmem>>
      %dma_start3A_166 = tpu.memref_squeeze %dma_start3A_165 : memref<1x80x128xf32, #tpu.memory_space<vmem>> -> memref<80x128xf32, #tpu.memory_space<vmem>>
      tpu.enqueue_dma source(%dma_start3A_166 : memref<80x128xf32, #tpu.memory_space<vmem>>) target(%dma_start3A_162 : memref<80x128xf32, #tpu.memory_space<vmem_shared>>) target_semaphore(%run_scoped3A_154 : memref<!tpu.dma_semaphore, #tpu.memory_space<semaphore_mem>>)
      %dma_wait3A_167 = arith.constant 0 : i32
      %dma_wait3A_168 = arith.constant 0 : i32
      %dma_wait3A_169 = tpu.memref_slice %arg5[%run_scoped3A_76, %dma_wait3A_167, %dma_wait3A_168] : memref<3x80x128xf32, #tpu.memory_space<vmem>> -> memref<1x80x128xf32, #tpu.memory_space<vmem>>
      %dma_wait3A_170 = tpu.memref_squeeze %dma_wait3A_169 : memref<1x80x128xf32, #tpu.memory_space<vmem>> -> memref<80x128xf32, #tpu.memory_space<vmem>>
      %dma_wait3A_171 = arith.constant 0 : i32
      %dma_wait3A_172 = tpu.memref_slice %arg7[%add3A_75, %dma_wait3A_171] : memref<10240x128xf32, #tpu.memory_space<vmem_shared>> -> memref<80x128xf32, #tpu.memory_space<vmem_shared>>
      %dma_wait3A_173 = arith.constant 0 : i32
      %dma_wait3A_174 = tpu.memref_slice %arg7[%add3A_75, %dma_wait3A_173] : memref<10240x128xf32, #tpu.memory_space<vmem_shared>> -> memref<80x128xf32, #tpu.memory_space<vmem_shared>>
      %dma_wait3A_175 = arith.constant 0 : i32
      %dma_wait3A_176 = arith.constant 0 : i32
      %dma_wait3A_177 = tpu.memref_slice %arg5[%run_scoped3A_76, %dma_wait3A_175, %dma_wait3A_176] : memref<3x80x128xf32, #tpu.memory_space<vmem>> -> memref<1x80x128xf32, #tpu.memory_space<vmem>>
      %dma_wait3A_178 = tpu.memref_squeeze %dma_wait3A_177 : memref<1x80x128xf32, #tpu.memory_space<vmem>> -> memref<80x128xf32, #tpu.memory_space<vmem>>
      tpu.wait_dma2 semaphore(%run_scoped3A_154 : memref<!tpu.dma_semaphore, #tpu.memory_space<semaphore_mem>>) src(%dma_wait3A_178 : memref<80x128xf32, #tpu.memory_space<vmem>>) dst(%dma_wait3A_174 : memref<80x128xf32, #tpu.memory_space<vmem_shared>>)
      tpu.yield
    }) : () -> ()
    %add3A_77 = arith.constant 480 : i32
    %add3A_78 = arith.addi %mul3A_59, %add3A_77 : i32
    %run_scoped3A_79 = arith.constant 2 : i32
    "tpu.region"() ({
      %run_scoped3A_154 = tpu.sem_alloc : memref<!tpu.dma_semaphore, #tpu.memory_space<semaphore_mem>>
      %dma_start3A_155 = arith.constant 0 : i32
      %dma_start3A_156 = arith.constant 0 : i32
      %dma_start3A_157 = tpu.memref_slice %arg5[%run_scoped3A_79, %dma_start3A_155, %dma_start3A_156] : memref<3x80x128xf32, #tpu.memory_space<vmem>> -> memref<1x80x128xf32, #tpu.memory_space<vmem>>
      %dma_start3A_158 = tpu.memref_squeeze %dma_start3A_157 : memref<1x80x128xf32, #tpu.memory_space<vmem>> -> memref<80x128xf32, #tpu.memory_space<vmem>>
      %dma_start3A_159 = arith.constant 0 : i32
      %dma_start3A_160 = tpu.memref_slice %arg7[%add3A_78, %dma_start3A_159] : memref<10240x128xf32, #tpu.memory_space<vmem_shared>> -> memref<80x128xf32, #tpu.memory_space<vmem_shared>>
      %dma_start3A_161 = arith.constant 0 : i32
      %dma_start3A_162 = tpu.memref_slice %arg7[%add3A_78, %dma_start3A_161] : memref<10240x128xf32, #tpu.memory_space<vmem_shared>> -> memref<80x128xf32, #tpu.memory_space<vmem_shared>>
      %dma_start3A_163 = arith.constant 0 : i32
      %dma_start3A_164 = arith.constant 0 : i32
      %dma_start3A_165 = tpu.memref_slice %arg5[%run_scoped3A_79, %dma_start3A_163, %dma_start3A_164] : memref<3x80x128xf32, #tpu.memory_space<vmem>> -> memref<1x80x128xf32, #tpu.memory_space<vmem>>
      %dma_start3A_166 = tpu.memref_squeeze %dma_start3A_165 : memref<1x80x128xf32, #tpu.memory_space<vmem>> -> memref<80x128xf32, #tpu.memory_space<vmem>>
      tpu.enqueue_dma source(%dma_start3A_166 : memref<80x128xf32, #tpu.memory_space<vmem>>) target(%dma_start3A_162 : memref<80x128xf32, #tpu.memory_space<vmem_shared>>) target_semaphore(%run_scoped3A_154 : memref<!tpu.dma_semaphore, #tpu.memory_space<semaphore_mem>>)
      %dma_wait3A_167 = arith.constant 0 : i32
      %dma_wait3A_168 = arith.constant 0 : i32
      %dma_wait3A_169 = tpu.memref_slice %arg5[%run_scoped3A_79, %dma_wait3A_167, %dma_wait3A_168] : memref<3x80x128xf32, #tpu.memory_space<vmem>> -> memref<1x80x128xf32, #tpu.memory_space<vmem>>
      %dma_wait3A_170 = tpu.memref_squeeze %dma_wait3A_169 : memref<1x80x128xf32, #tpu.memory_space<vmem>> -> memref<80x128xf32, #tpu.memory_space<vmem>>
      %dma_wait3A_171 = arith.constant 0 : i32
      %dma_wait3A_172 = tpu.memref_slice %arg7[%add3A_78, %dma_wait3A_171] : memref<10240x128xf32, #tpu.memory_space<vmem_shared>> -> memref<80x128xf32, #tpu.memory_space<vmem_shared>>
      %dma_wait3A_173 = arith.constant 0 : i32
      %dma_wait3A_174 = tpu.memref_slice %arg7[%add3A_78, %dma_wait3A_173] : memref<10240x128xf32, #tpu.memory_space<vmem_shared>> -> memref<80x128xf32, #tpu.memory_space<vmem_shared>>
      %dma_wait3A_175 = arith.constant 0 : i32
      %dma_wait3A_176 = arith.constant 0 : i32
      %dma_wait3A_177 = tpu.memref_slice %arg5[%run_scoped3A_79, %dma_wait3A_175, %dma_wait3A_176] : memref<3x80x128xf32, #tpu.memory_space<vmem>> -> memref<1x80x128xf32, #tpu.memory_space<vmem>>
      %dma_wait3A_178 = tpu.memref_squeeze %dma_wait3A_177 : memref<1x80x128xf32, #tpu.memory_space<vmem>> -> memref<80x128xf32, #tpu.memory_space<vmem>>
      tpu.wait_dma2 semaphore(%run_scoped3A_154 : memref<!tpu.dma_semaphore, #tpu.memory_space<semaphore_mem>>) src(%dma_wait3A_178 : memref<80x128xf32, #tpu.memory_space<vmem>>) dst(%dma_wait3A_174 : memref<80x128xf32, #tpu.memory_space<vmem_shared>>)
      tpu.yield
    }) : () -> ()
    %add3A_80 = arith.constant 560 : i32
    %add3A_81 = arith.addi %mul3A_59, %add3A_80 : i32
    %run_scoped3A_82 = arith.constant 2 : i32
    "tpu.region"() ({
      %run_scoped3A_154 = tpu.sem_alloc : memref<!tpu.dma_semaphore, #tpu.memory_space<semaphore_mem>>
      %dma_start3A_155 = arith.constant 0 : i32
      %dma_start3A_156 = arith.constant 0 : i32
      %dma_start3A_157 = tpu.memref_slice %arg5[%run_scoped3A_82, %dma_start3A_155, %dma_start3A_156] : memref<3x80x128xf32, #tpu.memory_space<vmem>> -> memref<1x80x128xf32, #tpu.memory_space<vmem>>
      %dma_start3A_158 = tpu.memref_squeeze %dma_start3A_157 : memref<1x80x128xf32, #tpu.memory_space<vmem>> -> memref<80x128xf32, #tpu.memory_space<vmem>>
      %dma_start3A_159 = arith.constant 0 : i32
      %dma_start3A_160 = tpu.memref_slice %arg7[%add3A_81, %dma_start3A_159] : memref<10240x128xf32, #tpu.memory_space<vmem_shared>> -> memref<80x128xf32, #tpu.memory_space<vmem_shared>>
      %dma_start3A_161 = arith.constant 0 : i32
      %dma_start3A_162 = tpu.memref_slice %arg7[%add3A_81, %dma_start3A_161] : memref<10240x128xf32, #tpu.memory_space<vmem_shared>> -> memref<80x128xf32, #tpu.memory_space<vmem_shared>>
      %dma_start3A_163 = arith.constant 0 : i32
      %dma_start3A_164 = arith.constant 0 : i32
      %dma_start3A_165 = tpu.memref_slice %arg5[%run_scoped3A_82, %dma_start3A_163, %dma_start3A_164] : memref<3x80x128xf32, #tpu.memory_space<vmem>> -> memref<1x80x128xf32, #tpu.memory_space<vmem>>
      %dma_start3A_166 = tpu.memref_squeeze %dma_start3A_165 : memref<1x80x128xf32, #tpu.memory_space<vmem>> -> memref<80x128xf32, #tpu.memory_space<vmem>>
      tpu.enqueue_dma source(%dma_start3A_166 : memref<80x128xf32, #tpu.memory_space<vmem>>) target(%dma_start3A_162 : memref<80x128xf32, #tpu.memory_space<vmem_shared>>) target_semaphore(%run_scoped3A_154 : memref<!tpu.dma_semaphore, #tpu.memory_space<semaphore_mem>>)
      %dma_wait3A_167 = arith.constant 0 : i32
      %dma_wait3A_168 = arith.constant 0 : i32
      %dma_wait3A_169 = tpu.memref_slice %arg5[%run_scoped3A_82, %dma_wait3A_167, %dma_wait3A_168] : memref<3x80x128xf32, #tpu.memory_space<vmem>> -> memref<1x80x128xf32, #tpu.memory_space<vmem>>
      %dma_wait3A_170 = tpu.memref_squeeze %dma_wait3A_169 : memref<1x80x128xf32, #tpu.memory_space<vmem>> -> memref<80x128xf32, #tpu.memory_space<vmem>>
      %dma_wait3A_171 = arith.constant 0 : i32
      %dma_wait3A_172 = tpu.memref_slice %arg7[%add3A_81, %dma_wait3A_171] : memref<10240x128xf32, #tpu.memory_space<vmem_shared>> -> memref<80x128xf32, #tpu.memory_space<vmem_shared>>
      %dma_wait3A_173 = arith.constant 0 : i32
      %dma_wait3A_174 = tpu.memref_slice %arg7[%add3A_81, %dma_wait3A_173] : memref<10240x128xf32, #tpu.memory_space<vmem_shared>> -> memref<80x128xf32, #tpu.memory_space<vmem_shared>>
      %dma_wait3A_175 = arith.constant 0 : i32
      %dma_wait3A_176 = arith.constant 0 : i32
      %dma_wait3A_177 = tpu.memref_slice %arg5[%run_scoped3A_82, %dma_wait3A_175, %dma_wait3A_176] : memref<3x80x128xf32, #tpu.memory_space<vmem>> -> memref<1x80x128xf32, #tpu.memory_space<vmem>>
      %dma_wait3A_178 = tpu.memref_squeeze %dma_wait3A_177 : memref<1x80x128xf32, #tpu.memory_space<vmem>> -> memref<80x128xf32, #tpu.memory_space<vmem>>
      tpu.wait_dma2 semaphore(%run_scoped3A_154 : memref<!tpu.dma_semaphore, #tpu.memory_space<semaphore_mem>>) src(%dma_wait3A_178 : memref<80x128xf32, #tpu.memory_space<vmem>>) dst(%dma_wait3A_174 : memref<80x128xf32, #tpu.memory_space<vmem_shared>>)
      tpu.yield
    }) : () -> ()
    %dma_wait3A = arith.constant 1 : i32
    %dma_wait3A_83 = arith.constant 0 : i32
    %dma_wait3A_84 = arith.constant 0 : i32
    %dma_wait3A_85 = arith.constant 0 : i32
    %dma_wait3A_86 = tpu.memref_slice %arg2[%dma_wait3A, %dma_wait3A_83, %dma_wait3A_84, %dma_wait3A_85] : memref<2x32x125x80xi32, #tpu.memory_space<hbm>> -> memref<1x32x125x80xi32, #tpu.memory_space<hbm>>
    %dma_wait3A_87 = tpu.memref_squeeze %dma_wait3A_86 : memref<1x32x125x80xi32, #tpu.memory_space<hbm>> -> memref<32x125x80xi32, #tpu.memory_space<hbm>>
    %dma_wait3A_88 = arith.constant 0 : i32
    %dma_wait3A_89 = arith.constant 0 : i32
    %dma_wait3A_90 = tpu.memref_slice %dma_wait3A_87[%add3A, %dma_wait3A_88, %dma_wait3A_89] : memref<32x125x80xi32, #tpu.memory_space<hbm>> -> memref<1x125x80xi32, #tpu.memory_space<hbm>>
    %dma_wait3A_91 = tpu.memref_squeeze %dma_wait3A_90 : memref<1x125x80xi32, #tpu.memory_space<hbm>> -> memref<125x80xi32, #tpu.memory_space<hbm>>
    %dma_wait3A_92 = arith.constant 0 : i32
    %dma_wait3A_93 = arith.constant 0 : i32
    %dma_wait3A_94 = arith.constant 0 : i32
    %dma_wait3A_95 = tpu.memref_slice %arg2[%dma_wait3A, %dma_wait3A_92, %dma_wait3A_93, %dma_wait3A_94] : memref<2x32x125x80xi32, #tpu.memory_space<hbm>> -> memref<1x32x125x80xi32, #tpu.memory_space<hbm>>
    %dma_wait3A_96 = tpu.memref_squeeze %dma_wait3A_95 : memref<1x32x125x80xi32, #tpu.memory_space<hbm>> -> memref<32x125x80xi32, #tpu.memory_space<hbm>>
    %dma_wait3A_97 = arith.constant 0 : i32
    %dma_wait3A_98 = arith.constant 0 : i32
    %dma_wait3A_99 = tpu.memref_slice %dma_wait3A_96[%add3A, %dma_wait3A_97, %dma_wait3A_98] : memref<32x125x80xi32, #tpu.memory_space<hbm>> -> memref<1x125x80xi32, #tpu.memory_space<hbm>>
    %dma_wait3A_100 = tpu.memref_squeeze %dma_wait3A_99 : memref<1x125x80xi32, #tpu.memory_space<hbm>> -> memref<125x80xi32, #tpu.memory_space<hbm>>
    tpu.wait_dma2 semaphore(%arg9 : memref<!tpu.dma_semaphore, #tpu.memory_space<semaphore_mem>>) src(%dma_wait3A_100 : memref<125x80xi32, #tpu.memory_space<hbm>>) dst(%arg6 : memref<125x80xi32, #tpu.memory_space<vmem>>)
    %barrier3A = arith.constant 0 : index
    tpu.barrier barrier_id(%barrier3A)
    %scan3A_101 = arith.constant 0 : i32
    %scan3A_102 = arith.constant 0 : i32
    %scan3A_103 = arith.constant 125 : i32
    %scan3A_104 = arith.addi %scan3A_102, %scan3A_103 : i32
    %scan3A_105 = arith.constant 1 : i32
    %scan3A_106 = scf.for %scan3A_154 = %scan3A_102 to %scan3A_104 step %scan3A_105 iter_args(%scan3A_155 = %scan3A_101) -> (i32)  : i32 {
      %rem3A_156 = arith.constant 3 : i32
      %rem3A_157 = arith.remsi %scan3A_154, %rem3A_156 : i32
      %dma_wait3A_158 = arith.constant 0 : i32
      %dma_wait3A_159 = arith.constant 0 : i32
      %dma_wait3A_160 = tpu.memref_slice %arg5[%rem3A_157, %dma_wait3A_158, %dma_wait3A_159] : memref<3x80x128xf32, #tpu.memory_space<vmem>> -> memref<1x80x128xf32, #tpu.memory_space<vmem>>
      %dma_wait3A_161 = tpu.memref_squeeze %dma_wait3A_160 : memref<1x80x128xf32, #tpu.memory_space<vmem>> -> memref<80x128xf32, #tpu.memory_space<vmem>>
      %dma_wait3A_162 = arith.constant 0 : i32
      %dma_wait3A_163 = tpu.memref_slice %arg3[%mul3A_2, %dma_wait3A_162] : memref<320000x128xf32, #tpu.memory_space<hbm>> -> memref<80x128xf32, #tpu.memory_space<hbm>>
      %dma_wait3A_164 = arith.constant 0 : i32
      %dma_wait3A_165 = arith.constant 0 : i32
      %dma_wait3A_166 = tpu.memref_slice %arg5[%rem3A_157, %dma_wait3A_164, %dma_wait3A_165] : memref<3x80x128xf32, #tpu.memory_space<vmem>> -> memref<1x80x128xf32, #tpu.memory_space<vmem>>
      %dma_wait3A_167 = tpu.memref_squeeze %dma_wait3A_166 : memref<1x80x128xf32, #tpu.memory_space<vmem>> -> memref<80x128xf32, #tpu.memory_space<vmem>>
      %dma_wait3A_168 = arith.constant 0 : i32
      %dma_wait3A_169 = tpu.memref_slice %arg3[%mul3A_2, %dma_wait3A_168] : memref<320000x128xf32, #tpu.memory_space<hbm>> -> memref<80x128xf32, #tpu.memory_space<hbm>>
      tpu.wait_dma2 semaphore(%arg8 : memref<!tpu.dma_semaphore, #tpu.memory_space<semaphore_mem>>) src(%dma_wait3A_169 : memref<80x128xf32, #tpu.memory_space<hbm>>) dst(%dma_wait3A_167 : memref<80x128xf32, #tpu.memory_space<vmem>>)
      %gt3A = arith.constant 0 : i32
      %gt3A_170 = arith.cmpi sgt, %scan3A_154, %gt3A : i32
      %convert_element_type3A = arith.extui %gt3A_170 : i1 to i32
      %cond3A = arith.constant 0 : i32
      %cond3A_171 = arith.cmpi ne, %convert_element_type3A, %cond3A : i32
      scf.if %cond3A_171 {
        %sub3A = arith.constant 1 : i32
        %sub3A_189 = arith.subi %scan3A_154, %sub3A : i32
        %sub3A_190 = arith.constant 1 : i32
        %sub3A_191 = arith.subi %scan3A_154, %sub3A_190 : i32
        %rem3A_192 = arith.constant 3 : i32
        %rem3A_193 = arith.remsi %sub3A_191, %rem3A_192 : i32
        %dma_wait3A_194 = arith.constant 0 : i32
        %dma_wait3A_195 = arith.constant 0 : i32
        %dma_wait3A_196 = tpu.memref_slice %arg5[%rem3A_193, %dma_wait3A_194, %dma_wait3A_195] : memref<3x80x128xf32, #tpu.memory_space<vmem>> -> memref<1x80x128xf32, #tpu.memory_space<vmem>>
        %dma_wait3A_197 = tpu.memref_squeeze %dma_wait3A_196 : memref<1x80x128xf32, #tpu.memory_space<vmem>> -> memref<80x128xf32, #tpu.memory_space<vmem>>
        %dma_wait3A_198 = arith.constant 0 : i32
        %dma_wait3A_199 = tpu.memref_slice %arg6[%sub3A_189, %dma_wait3A_198] : memref<125x80xi32, #tpu.memory_space<vmem>> -> memref<1x80xi32, #tpu.memory_space<vmem>>
        %dma_wait3A_200 = tpu.memref_squeeze %dma_wait3A_199 : memref<1x80xi32, #tpu.memory_space<vmem>> -> memref<80xi32, #tpu.memory_space<vmem>>
        %dma_wait3A_201 = arith.constant 0 : i32
        %dma_wait3A_202 = arith.constant 0 : i32
        %dma_wait3A_203 = tpu.memref_slice %arg7[%dma_wait3A_201, %dma_wait3A_202] : memref<10240x128xf32, #tpu.memory_space<vmem_shared>> -> memref<10240x128xf32, #tpu.memory_space<vmem_shared>>
        tpu.wait_indirect_dma semaphore(%arg9 : memref<!tpu.dma_semaphore, #tpu.memory_space<semaphore_mem>>) src(%dma_wait3A_197 : memref<80x128xf32, #tpu.memory_space<vmem>>) dst(%dma_wait3A_203 : memref<10240x128xf32, #tpu.memory_space<vmem_shared>>)
      } else {
      }
      %dma_start3A_172 = arith.constant 0 : i32
      %dma_start3A_173 = arith.constant 0 : i32
      %dma_start3A_174 = tpu.memref_slice %arg5[%rem3A_157, %dma_start3A_172, %dma_start3A_173] : memref<3x80x128xf32, #tpu.memory_space<vmem>> -> memref<1x80x128xf32, #tpu.memory_space<vmem>>
      %dma_start3A_175 = tpu.memref_squeeze %dma_start3A_174 : memref<1x80x128xf32, #tpu.memory_space<vmem>> -> memref<80x128xf32, #tpu.memory_space<vmem>>
      %dma_start3A_176 = arith.constant 0 : i32
      %dma_start3A_177 = tpu.memref_slice %arg6[%scan3A_154, %dma_start3A_176] : memref<125x80xi32, #tpu.memory_space<vmem>> -> memref<1x80xi32, #tpu.memory_space<vmem>>
      %dma_start3A_178 = tpu.memref_squeeze %dma_start3A_177 : memref<1x80xi32, #tpu.memory_space<vmem>> -> memref<80xi32, #tpu.memory_space<vmem>>
      %dma_start3A_179 = arith.constant 0 : i32
      %dma_start3A_180 = arith.constant 0 : i32
      %dma_start3A_181 = tpu.memref_slice %arg7[%dma_start3A_179, %dma_start3A_180] : memref<10240x128xf32, #tpu.memory_space<vmem_shared>> -> memref<10240x128xf32, #tpu.memory_space<vmem_shared>>
      tpu.enqueue_indirect_dma source(%dma_start3A_175 : memref<80x128xf32, #tpu.memory_space<vmem>>) target(%dma_start3A_181 : memref<10240x128xf32, #tpu.memory_space<vmem_shared>>) offsets(%dma_start3A_178 : memref<80xi32, #tpu.memory_space<vmem>>) semaphore(%arg9 : memref<!tpu.dma_semaphore, #tpu.memory_space<semaphore_mem>>) {add = true}
      %add3A_182 = arith.constant 2 : i32
      %add3A_183 = arith.addi %scan3A_154, %add3A_182 : i32
      %lt3A = arith.constant 125 : i32
      %lt3A_184 = arith.cmpi slt, %add3A_183, %lt3A : i32
      %convert_element_type3A_185 = arith.extui %lt3A_184 : i1 to i32
      %cond3A_186 = arith.constant 0 : i32
      %cond3A_187 = arith.cmpi ne, %convert_element_type3A_185, %cond3A_186 : i32
      scf.if %cond3A_187 {
        %add3A_189 = arith.constant 2 : i32
        %add3A_190 = arith.addi %scan3A_154, %add3A_189 : i32
        %add3A_191 = arith.constant 2 : i32
        %add3A_192 = arith.addi %scan3A_154, %add3A_191 : i32
        %rem3A_193 = arith.constant 3 : i32
        %rem3A_194 = arith.remsi %add3A_192, %rem3A_193 : i32
        %mul3A_195 = arith.constant 80 : i32
        %mul3A_196 = arith.muli %add3A_190, %mul3A_195 : i32
        %add3A_197 = arith.addi %mul3A_2, %mul3A_196 : i32
        %dma_start3A_198 = arith.constant 0 : i32
        %dma_start3A_199 = arith.constant 0 : i32
        %dma_start3A_200 = tpu.memref_slice %arg5[%rem3A_194, %dma_start3A_198, %dma_start3A_199] : memref<3x80x128xf32, #tpu.memory_space<vmem>> -> memref<1x80x128xf32, #tpu.memory_space<vmem>>
        %dma_start3A_201 = tpu.memref_squeeze %dma_start3A_200 : memref<1x80x128xf32, #tpu.memory_space<vmem>> -> memref<80x128xf32, #tpu.memory_space<vmem>>
        %dma_start3A_202 = arith.constant 0 : i32
        %dma_start3A_203 = tpu.memref_slice %arg3[%add3A_197, %dma_start3A_202] : memref<320000x128xf32, #tpu.memory_space<hbm>> -> memref<80x128xf32, #tpu.memory_space<hbm>>
        %dma_start3A_204 = arith.constant 0 : i32
        %dma_start3A_205 = arith.constant 0 : i32
        %dma_start3A_206 = tpu.memref_slice %arg5[%rem3A_194, %dma_start3A_204, %dma_start3A_205] : memref<3x80x128xf32, #tpu.memory_space<vmem>> -> memref<1x80x128xf32, #tpu.memory_space<vmem>>
        %dma_start3A_207 = tpu.memref_squeeze %dma_start3A_206 : memref<1x80x128xf32, #tpu.memory_space<vmem>> -> memref<80x128xf32, #tpu.memory_space<vmem>>
        %dma_start3A_208 = arith.constant 0 : i32
        %dma_start3A_209 = tpu.memref_slice %arg3[%add3A_197, %dma_start3A_208] : memref<320000x128xf32, #tpu.memory_space<hbm>> -> memref<80x128xf32, #tpu.memory_space<hbm>>
        tpu.enqueue_dma source(%dma_start3A_209 : memref<80x128xf32, #tpu.memory_space<hbm>>) target(%dma_start3A_207 : memref<80x128xf32, #tpu.memory_space<vmem>>) target_semaphore(%arg8 : memref<!tpu.dma_semaphore, #tpu.memory_space<semaphore_mem>>)
      } else {
      }
      %scan3A_188 = arith.constant 0 : i32
      scf.yield %scan3A_188 : i32
    }
    %scan3A_107 = arith.constant 125 : i32
    %rem3A = arith.constant 124 : i32
    %rem3A_108 = arith.constant 3 : i32
    %rem3A_109 = arith.remsi %rem3A, %rem3A_108 : i32
    %dma_wait3A_110 = arith.constant 124 : i32
    %dma_wait3A_111 = arith.constant 0 : i32
    %dma_wait3A_112 = arith.constant 0 : i32
    %dma_wait3A_113 = tpu.memref_slice %arg5[%rem3A_109, %dma_wait3A_111, %dma_wait3A_112] : memref<3x80x128xf32, #tpu.memory_space<vmem>> -> memref<1x80x128xf32, #tpu.memory_space<vmem>>
    %dma_wait3A_114 = tpu.memref_squeeze %dma_wait3A_113 : memref<1x80x128xf32, #tpu.memory_space<vmem>> -> memref<80x128xf32, #tpu.memory_space<vmem>>
    %dma_wait3A_115 = arith.constant 0 : i32
    %dma_wait3A_116 = tpu.memref_slice %arg6[%dma_wait3A_110, %dma_wait3A_115] : memref<125x80xi32, #tpu.memory_space<vmem>> -> memref<1x80xi32, #tpu.memory_space<vmem>>
    %dma_wait3A_117 = tpu.memref_squeeze %dma_wait3A_116 : memref<1x80xi32, #tpu.memory_space<vmem>> -> memref<80xi32, #tpu.memory_space<vmem>>
    %dma_wait3A_118 = arith.constant 0 : i32
    %dma_wait3A_119 = arith.constant 0 : i32
    %dma_wait3A_120 = tpu.memref_slice %arg7[%dma_wait3A_118, %dma_wait3A_119] : memref<10240x128xf32, #tpu.memory_space<vmem_shared>> -> memref<10240x128xf32, #tpu.memory_space<vmem_shared>>
    tpu.wait_indirect_dma semaphore(%arg9 : memref<!tpu.dma_semaphore, #tpu.memory_space<semaphore_mem>>) src(%dma_wait3A_114 : memref<80x128xf32, #tpu.memory_space<vmem>>) dst(%dma_wait3A_120 : memref<10240x128xf32, #tpu.memory_space<vmem_shared>>)
    %barrier3A_121 = arith.constant 0 : index
    tpu.barrier barrier_id(%barrier3A_121)
    %add3A_122 = arith.constant 0 : i32
    %add3A_123 = arith.addi %mul3A_59, %add3A_122 : i32
    %run_scoped3A_124 = arith.constant 0 : i32
    "tpu.region"() ({
      %run_scoped3A_154 = tpu.sem_alloc : memref<!tpu.dma_semaphore, #tpu.memory_space<semaphore_mem>>
      %dma_start3A_155 = arith.constant 0 : i32
      %dma_start3A_156 = arith.constant 0 : i32
      %dma_start3A_157 = tpu.memref_slice %arg5[%run_scoped3A_124, %dma_start3A_155, %dma_start3A_156] : memref<3x80x128xf32, #tpu.memory_space<vmem>> -> memref<1x80x128xf32, #tpu.memory_space<vmem>>
      %dma_start3A_158 = tpu.memref_squeeze %dma_start3A_157 : memref<1x80x128xf32, #tpu.memory_space<vmem>> -> memref<80x128xf32, #tpu.memory_space<vmem>>
      %dma_start3A_159 = arith.constant 0 : i32
      %dma_start3A_160 = tpu.memref_slice %arg7[%add3A_123, %dma_start3A_159] : memref<10240x128xf32, #tpu.memory_space<vmem_shared>> -> memref<80x128xf32, #tpu.memory_space<vmem_shared>>
      %dma_start3A_161 = arith.constant 0 : i32
      %dma_start3A_162 = arith.constant 0 : i32
      %dma_start3A_163 = tpu.memref_slice %arg5[%run_scoped3A_124, %dma_start3A_161, %dma_start3A_162] : memref<3x80x128xf32, #tpu.memory_space<vmem>> -> memref<1x80x128xf32, #tpu.memory_space<vmem>>
      %dma_start3A_164 = tpu.memref_squeeze %dma_start3A_163 : memref<1x80x128xf32, #tpu.memory_space<vmem>> -> memref<80x128xf32, #tpu.memory_space<vmem>>
      %dma_start3A_165 = arith.constant 0 : i32
      %dma_start3A_166 = tpu.memref_slice %arg7[%add3A_123, %dma_start3A_165] : memref<10240x128xf32, #tpu.memory_space<vmem_shared>> -> memref<80x128xf32, #tpu.memory_space<vmem_shared>>
      tpu.enqueue_dma source(%dma_start3A_166 : memref<80x128xf32, #tpu.memory_space<vmem_shared>>) target(%dma_start3A_164 : memref<80x128xf32, #tpu.memory_space<vmem>>) target_semaphore(%run_scoped3A_154 : memref<!tpu.dma_semaphore, #tpu.memory_space<semaphore_mem>>)
      %dma_wait3A_167 = arith.constant 0 : i32
      %dma_wait3A_168 = arith.constant 0 : i32
      %dma_wait3A_169 = tpu.memref_slice %arg5[%run_scoped3A_124, %dma_wait3A_167, %dma_wait3A_168] : memref<3x80x128xf32, #tpu.memory_space<vmem>> -> memref<1x80x128xf32, #tpu.memory_space<vmem>>
      %dma_wait3A_170 = tpu.memref_squeeze %dma_wait3A_169 : memref<1x80x128xf32, #tpu.memory_space<vmem>> -> memref<80x128xf32, #tpu.memory_space<vmem>>
      %dma_wait3A_171 = arith.constant 0 : i32
      %dma_wait3A_172 = tpu.memref_slice %arg7[%add3A_123, %dma_wait3A_171] : memref<10240x128xf32, #tpu.memory_space<vmem_shared>> -> memref<80x128xf32, #tpu.memory_space<vmem_shared>>
      %dma_wait3A_173 = arith.constant 0 : i32
      %dma_wait3A_174 = arith.constant 0 : i32
      %dma_wait3A_175 = tpu.memref_slice %arg5[%run_scoped3A_124, %dma_wait3A_173, %dma_wait3A_174] : memref<3x80x128xf32, #tpu.memory_space<vmem>> -> memref<1x80x128xf32, #tpu.memory_space<vmem>>
      %dma_wait3A_176 = tpu.memref_squeeze %dma_wait3A_175 : memref<1x80x128xf32, #tpu.memory_space<vmem>> -> memref<80x128xf32, #tpu.memory_space<vmem>>
      %dma_wait3A_177 = arith.constant 0 : i32
      %dma_wait3A_178 = tpu.memref_slice %arg7[%add3A_123, %dma_wait3A_177] : memref<10240x128xf32, #tpu.memory_space<vmem_shared>> -> memref<80x128xf32, #tpu.memory_space<vmem_shared>>
      tpu.wait_dma2 semaphore(%run_scoped3A_154 : memref<!tpu.dma_semaphore, #tpu.memory_space<semaphore_mem>>) src(%dma_wait3A_178 : memref<80x128xf32, #tpu.memory_space<vmem_shared>>) dst(%dma_wait3A_176 : memref<80x128xf32, #tpu.memory_space<vmem>>)
      tpu.yield
    }) : () -> ()
    %run_scoped3A_125 = arith.constant 0 : i32
    "tpu.region"() ({
      %run_scoped3A_154 = tpu.sem_alloc : memref<!tpu.dma_semaphore, #tpu.memory_space<semaphore_mem>>
      %dma_start3A_155 = arith.constant 0 : i32
      %dma_start3A_156 = arith.constant 0 : i32
      %dma_start3A_157 = tpu.memref_slice %arg5[%run_scoped3A_125, %dma_start3A_155, %dma_start3A_156] : memref<3x80x128xf32, #tpu.memory_space<vmem>> -> memref<1x80x128xf32, #tpu.memory_space<vmem>>
      %dma_start3A_158 = tpu.memref_squeeze %dma_start3A_157 : memref<1x80x128xf32, #tpu.memory_space<vmem>> -> memref<80x128xf32, #tpu.memory_space<vmem>>
      %dma_start3A_159 = arith.constant 0 : i32
      %dma_start3A_160 = tpu.memref_slice %arg4[%arg0, %add3A_123, %dma_start3A_159] : memref<2x10240x128xf32, #tpu.memory_space<hbm>> -> memref<1x80x128xf32, #tpu.memory_space<hbm>>
      %dma_start3A_161 = tpu.memref_squeeze %dma_start3A_160 : memref<1x80x128xf32, #tpu.memory_space<hbm>> -> memref<80x128xf32, #tpu.memory_space<hbm>>
      %dma_start3A_162 = arith.constant 0 : i32
      %dma_start3A_163 = tpu.memref_slice %arg4[%arg0, %add3A_123, %dma_start3A_162] : memref<2x10240x128xf32, #tpu.memory_space<hbm>> -> memref<1x80x128xf32, #tpu.memory_space<hbm>>
      %dma_start3A_164 = tpu.memref_squeeze %dma_start3A_163 : memref<1x80x128xf32, #tpu.memory_space<hbm>> -> memref<80x128xf32, #tpu.memory_space<hbm>>
      %dma_start3A_165 = arith.constant 0 : i32
      %dma_start3A_166 = arith.constant 0 : i32
      %dma_start3A_167 = tpu.memref_slice %arg5[%run_scoped3A_125, %dma_start3A_165, %dma_start3A_166] : memref<3x80x128xf32, #tpu.memory_space<vmem>> -> memref<1x80x128xf32, #tpu.memory_space<vmem>>
      %dma_start3A_168 = tpu.memref_squeeze %dma_start3A_167 : memref<1x80x128xf32, #tpu.memory_space<vmem>> -> memref<80x128xf32, #tpu.memory_space<vmem>>
      tpu.enqueue_dma source(%dma_start3A_168 : memref<80x128xf32, #tpu.memory_space<vmem>>) target(%dma_start3A_164 : memref<80x128xf32, #tpu.memory_space<hbm>>) target_semaphore(%run_scoped3A_154 : memref<!tpu.dma_semaphore, #tpu.memory_space<semaphore_mem>>)
      %dma_wait3A_169 = arith.constant 0 : i32
      %dma_wait3A_170 = arith.constant 0 : i32
      %dma_wait3A_171 = tpu.memref_slice %arg5[%run_scoped3A_125, %dma_wait3A_169, %dma_wait3A_170] : memref<3x80x128xf32, #tpu.memory_space<vmem>> -> memref<1x80x128xf32, #tpu.memory_space<vmem>>
      %dma_wait3A_172 = tpu.memref_squeeze %dma_wait3A_171 : memref<1x80x128xf32, #tpu.memory_space<vmem>> -> memref<80x128xf32, #tpu.memory_space<vmem>>
      %dma_wait3A_173 = arith.constant 0 : i32
      %dma_wait3A_174 = tpu.memref_slice %arg4[%arg0, %add3A_123, %dma_wait3A_173] : memref<2x10240x128xf32, #tpu.memory_space<hbm>> -> memref<1x80x128xf32, #tpu.memory_space<hbm>>
      %dma_wait3A_175 = tpu.memref_squeeze %dma_wait3A_174 : memref<1x80x128xf32, #tpu.memory_space<hbm>> -> memref<80x128xf32, #tpu.memory_space<hbm>>
      %dma_wait3A_176 = arith.constant 0 : i32
      %dma_wait3A_177 = tpu.memref_slice %arg4[%arg0, %add3A_123, %dma_wait3A_176] : memref<2x10240x128xf32, #tpu.memory_space<hbm>> -> memref<1x80x128xf32, #tpu.memory_space<hbm>>
      %dma_wait3A_178 = tpu.memref_squeeze %dma_wait3A_177 : memref<1x80x128xf32, #tpu.memory_space<hbm>> -> memref<80x128xf32, #tpu.memory_space<hbm>>
      %dma_wait3A_179 = arith.constant 0 : i32
      %dma_wait3A_180 = arith.constant 0 : i32
      %dma_wait3A_181 = tpu.memref_slice %arg5[%run_scoped3A_125, %dma_wait3A_179, %dma_wait3A_180] : memref<3x80x128xf32, #tpu.memory_space<vmem>> -> memref<1x80x128xf32, #tpu.memory_space<vmem>>
      %dma_wait3A_182 = tpu.memref_squeeze %dma_wait3A_181 : memref<1x80x128xf32, #tpu.memory_space<vmem>> -> memref<80x128xf32, #tpu.memory_space<vmem>>
      tpu.wait_dma2 semaphore(%run_scoped3A_154 : memref<!tpu.dma_semaphore, #tpu.memory_space<semaphore_mem>>) src(%dma_wait3A_182 : memref<80x128xf32, #tpu.memory_space<vmem>>) dst(%dma_wait3A_178 : memref<80x128xf32, #tpu.memory_space<hbm>>)
      tpu.yield
    }) : () -> ()
    %add3A_126 = arith.constant 80 : i32
    %add3A_127 = arith.addi %mul3A_59, %add3A_126 : i32
    %run_scoped3A_128 = arith.constant 0 : i32
    "tpu.region"() ({
      %run_scoped3A_154 = tpu.sem_alloc : memref<!tpu.dma_semaphore, #tpu.memory_space<semaphore_mem>>
      %dma_start3A_155 = arith.constant 0 : i32
      %dma_start3A_156 = arith.constant 0 : i32
      %dma_start3A_157 = tpu.memref_slice %arg5[%run_scoped3A_128, %dma_start3A_155, %dma_start3A_156] : memref<3x80x128xf32, #tpu.memory_space<vmem>> -> memref<1x80x128xf32, #tpu.memory_space<vmem>>
      %dma_start3A_158 = tpu.memref_squeeze %dma_start3A_157 : memref<1x80x128xf32, #tpu.memory_space<vmem>> -> memref<80x128xf32, #tpu.memory_space<vmem>>
      %dma_start3A_159 = arith.constant 0 : i32
      %dma_start3A_160 = tpu.memref_slice %arg7[%add3A_127, %dma_start3A_159] : memref<10240x128xf32, #tpu.memory_space<vmem_shared>> -> memref<80x128xf32, #tpu.memory_space<vmem_shared>>
      %dma_start3A_161 = arith.constant 0 : i32
      %dma_start3A_162 = arith.constant 0 : i32
      %dma_start3A_163 = tpu.memref_slice %arg5[%run_scoped3A_128, %dma_start3A_161, %dma_start3A_162] : memref<3x80x128xf32, #tpu.memory_space<vmem>> -> memref<1x80x128xf32, #tpu.memory_space<vmem>>
      %dma_start3A_164 = tpu.memref_squeeze %dma_start3A_163 : memref<1x80x128xf32, #tpu.memory_space<vmem>> -> memref<80x128xf32, #tpu.memory_space<vmem>>
      %dma_start3A_165 = arith.constant 0 : i32
      %dma_start3A_166 = tpu.memref_slice %arg7[%add3A_127, %dma_start3A_165] : memref<10240x128xf32, #tpu.memory_space<vmem_shared>> -> memref<80x128xf32, #tpu.memory_space<vmem_shared>>
      tpu.enqueue_dma source(%dma_start3A_166 : memref<80x128xf32, #tpu.memory_space<vmem_shared>>) target(%dma_start3A_164 : memref<80x128xf32, #tpu.memory_space<vmem>>) target_semaphore(%run_scoped3A_154 : memref<!tpu.dma_semaphore, #tpu.memory_space<semaphore_mem>>)
      %dma_wait3A_167 = arith.constant 0 : i32
      %dma_wait3A_168 = arith.constant 0 : i32
      %dma_wait3A_169 = tpu.memref_slice %arg5[%run_scoped3A_128, %dma_wait3A_167, %dma_wait3A_168] : memref<3x80x128xf32, #tpu.memory_space<vmem>> -> memref<1x80x128xf32, #tpu.memory_space<vmem>>
      %dma_wait3A_170 = tpu.memref_squeeze %dma_wait3A_169 : memref<1x80x128xf32, #tpu.memory_space<vmem>> -> memref<80x128xf32, #tpu.memory_space<vmem>>
      %dma_wait3A_171 = arith.constant 0 : i32
      %dma_wait3A_172 = tpu.memref_slice %arg7[%add3A_127, %dma_wait3A_171] : memref<10240x128xf32, #tpu.memory_space<vmem_shared>> -> memref<80x128xf32, #tpu.memory_space<vmem_shared>>
      %dma_wait3A_173 = arith.constant 0 : i32
      %dma_wait3A_174 = arith.constant 0 : i32
      %dma_wait3A_175 = tpu.memref_slice %arg5[%run_scoped3A_128, %dma_wait3A_173, %dma_wait3A_174] : memref<3x80x128xf32, #tpu.memory_space<vmem>> -> memref<1x80x128xf32, #tpu.memory_space<vmem>>
      %dma_wait3A_176 = tpu.memref_squeeze %dma_wait3A_175 : memref<1x80x128xf32, #tpu.memory_space<vmem>> -> memref<80x128xf32, #tpu.memory_space<vmem>>
      %dma_wait3A_177 = arith.constant 0 : i32
      %dma_wait3A_178 = tpu.memref_slice %arg7[%add3A_127, %dma_wait3A_177] : memref<10240x128xf32, #tpu.memory_space<vmem_shared>> -> memref<80x128xf32, #tpu.memory_space<vmem_shared>>
      tpu.wait_dma2 semaphore(%run_scoped3A_154 : memref<!tpu.dma_semaphore, #tpu.memory_space<semaphore_mem>>) src(%dma_wait3A_178 : memref<80x128xf32, #tpu.memory_space<vmem_shared>>) dst(%dma_wait3A_176 : memref<80x128xf32, #tpu.memory_space<vmem>>)
      tpu.yield
    }) : () -> ()
    %run_scoped3A_129 = arith.constant 0 : i32
    "tpu.region"() ({
      %run_scoped3A_154 = tpu.sem_alloc : memref<!tpu.dma_semaphore, #tpu.memory_space<semaphore_mem>>
      %dma_start3A_155 = arith.constant 0 : i32
      %dma_start3A_156 = arith.constant 0 : i32
      %dma_start3A_157 = tpu.memref_slice %arg5[%run_scoped3A_129, %dma_start3A_155, %dma_start3A_156] : memref<3x80x128xf32, #tpu.memory_space<vmem>> -> memref<1x80x128xf32, #tpu.memory_space<vmem>>
      %dma_start3A_158 = tpu.memref_squeeze %dma_start3A_157 : memref<1x80x128xf32, #tpu.memory_space<vmem>> -> memref<80x128xf32, #tpu.memory_space<vmem>>
      %dma_start3A_159 = arith.constant 0 : i32
      %dma_start3A_160 = tpu.memref_slice %arg4[%arg0, %add3A_127, %dma_start3A_159] : memref<2x10240x128xf32, #tpu.memory_space<hbm>> -> memref<1x80x128xf32, #tpu.memory_space<hbm>>
      %dma_start3A_161 = tpu.memref_squeeze %dma_start3A_160 : memref<1x80x128xf32, #tpu.memory_space<hbm>> -> memref<80x128xf32, #tpu.memory_space<hbm>>
      %dma_start3A_162 = arith.constant 0 : i32
      %dma_start3A_163 = tpu.memref_slice %arg4[%arg0, %add3A_127, %dma_start3A_162] : memref<2x10240x128xf32, #tpu.memory_space<hbm>> -> memref<1x80x128xf32, #tpu.memory_space<hbm>>
      %dma_start3A_164 = tpu.memref_squeeze %dma_start3A_163 : memref<1x80x128xf32, #tpu.memory_space<hbm>> -> memref<80x128xf32, #tpu.memory_space<hbm>>
      %dma_start3A_165 = arith.constant 0 : i32
      %dma_start3A_166 = arith.constant 0 : i32
      %dma_start3A_167 = tpu.memref_slice %arg5[%run_scoped3A_129, %dma_start3A_165, %dma_start3A_166] : memref<3x80x128xf32, #tpu.memory_space<vmem>> -> memref<1x80x128xf32, #tpu.memory_space<vmem>>
      %dma_start3A_168 = tpu.memref_squeeze %dma_start3A_167 : memref<1x80x128xf32, #tpu.memory_space<vmem>> -> memref<80x128xf32, #tpu.memory_space<vmem>>
      tpu.enqueue_dma source(%dma_start3A_168 : memref<80x128xf32, #tpu.memory_space<vmem>>) target(%dma_start3A_164 : memref<80x128xf32, #tpu.memory_space<hbm>>) target_semaphore(%run_scoped3A_154 : memref<!tpu.dma_semaphore, #tpu.memory_space<semaphore_mem>>)
      %dma_wait3A_169 = arith.constant 0 : i32
      %dma_wait3A_170 = arith.constant 0 : i32
      %dma_wait3A_171 = tpu.memref_slice %arg5[%run_scoped3A_129, %dma_wait3A_169, %dma_wait3A_170] : memref<3x80x128xf32, #tpu.memory_space<vmem>> -> memref<1x80x128xf32, #tpu.memory_space<vmem>>
      %dma_wait3A_172 = tpu.memref_squeeze %dma_wait3A_171 : memref<1x80x128xf32, #tpu.memory_space<vmem>> -> memref<80x128xf32, #tpu.memory_space<vmem>>
      %dma_wait3A_173 = arith.constant 0 : i32
      %dma_wait3A_174 = tpu.memref_slice %arg4[%arg0, %add3A_127, %dma_wait3A_173] : memref<2x10240x128xf32, #tpu.memory_space<hbm>> -> memref<1x80x128xf32, #tpu.memory_space<hbm>>
      %dma_wait3A_175 = tpu.memref_squeeze %dma_wait3A_174 : memref<1x80x128xf32, #tpu.memory_space<hbm>> -> memref<80x128xf32, #tpu.memory_space<hbm>>
      %dma_wait3A_176 = arith.constant 0 : i32
      %dma_wait3A_177 = tpu.memref_slice %arg4[%arg0, %add3A_127, %dma_wait3A_176] : memref<2x10240x128xf32, #tpu.memory_space<hbm>> -> memref<1x80x128xf32, #tpu.memory_space<hbm>>
      %dma_wait3A_178 = tpu.memref_squeeze %dma_wait3A_177 : memref<1x80x128xf32, #tpu.memory_space<hbm>> -> memref<80x128xf32, #tpu.memory_space<hbm>>
      %dma_wait3A_179 = arith.constant 0 : i32
      %dma_wait3A_180 = arith.constant 0 : i32
      %dma_wait3A_181 = tpu.memref_slice %arg5[%run_scoped3A_129, %dma_wait3A_179, %dma_wait3A_180] : memref<3x80x128xf32, #tpu.memory_space<vmem>> -> memref<1x80x128xf32, #tpu.memory_space<vmem>>
      %dma_wait3A_182 = tpu.memref_squeeze %dma_wait3A_181 : memref<1x80x128xf32, #tpu.memory_space<vmem>> -> memref<80x128xf32, #tpu.memory_space<vmem>>
      tpu.wait_dma2 semaphore(%run_scoped3A_154 : memref<!tpu.dma_semaphore, #tpu.memory_space<semaphore_mem>>) src(%dma_wait3A_182 : memref<80x128xf32, #tpu.memory_space<vmem>>) dst(%dma_wait3A_178 : memref<80x128xf32, #tpu.memory_space<hbm>>)
      tpu.yield
    }) : () -> ()
    %add3A_130 = arith.constant 160 : i32
    %add3A_131 = arith.addi %mul3A_59, %add3A_130 : i32
    %run_scoped3A_132 = arith.constant 0 : i32
    "tpu.region"() ({
      %run_scoped3A_154 = tpu.sem_alloc : memref<!tpu.dma_semaphore, #tpu.memory_space<semaphore_mem>>
      %dma_start3A_155 = arith.constant 0 : i32
      %dma_start3A_156 = arith.constant 0 : i32
      %dma_start3A_157 = tpu.memref_slice %arg5[%run_scoped3A_132, %dma_start3A_155, %dma_start3A_156] : memref<3x80x128xf32, #tpu.memory_space<vmem>> -> memref<1x80x128xf32, #tpu.memory_space<vmem>>
      %dma_start3A_158 = tpu.memref_squeeze %dma_start3A_157 : memref<1x80x128xf32, #tpu.memory_space<vmem>> -> memref<80x128xf32, #tpu.memory_space<vmem>>
      %dma_start3A_159 = arith.constant 0 : i32
      %dma_start3A_160 = tpu.memref_slice %arg7[%add3A_131, %dma_start3A_159] : memref<10240x128xf32, #tpu.memory_space<vmem_shared>> -> memref<80x128xf32, #tpu.memory_space<vmem_shared>>
      %dma_start3A_161 = arith.constant 0 : i32
      %dma_start3A_162 = arith.constant 0 : i32
      %dma_start3A_163 = tpu.memref_slice %arg5[%run_scoped3A_132, %dma_start3A_161, %dma_start3A_162] : memref<3x80x128xf32, #tpu.memory_space<vmem>> -> memref<1x80x128xf32, #tpu.memory_space<vmem>>
      %dma_start3A_164 = tpu.memref_squeeze %dma_start3A_163 : memref<1x80x128xf32, #tpu.memory_space<vmem>> -> memref<80x128xf32, #tpu.memory_space<vmem>>
      %dma_start3A_165 = arith.constant 0 : i32
      %dma_start3A_166 = tpu.memref_slice %arg7[%add3A_131, %dma_start3A_165] : memref<10240x128xf32, #tpu.memory_space<vmem_shared>> -> memref<80x128xf32, #tpu.memory_space<vmem_shared>>
      tpu.enqueue_dma source(%dma_start3A_166 : memref<80x128xf32, #tpu.memory_space<vmem_shared>>) target(%dma_start3A_164 : memref<80x128xf32, #tpu.memory_space<vmem>>) target_semaphore(%run_scoped3A_154 : memref<!tpu.dma_semaphore, #tpu.memory_space<semaphore_mem>>)
      %dma_wait3A_167 = arith.constant 0 : i32
      %dma_wait3A_168 = arith.constant 0 : i32
      %dma_wait3A_169 = tpu.memref_slice %arg5[%run_scoped3A_132, %dma_wait3A_167, %dma_wait3A_168] : memref<3x80x128xf32, #tpu.memory_space<vmem>> -> memref<1x80x128xf32, #tpu.memory_space<vmem>>
      %dma_wait3A_170 = tpu.memref_squeeze %dma_wait3A_169 : memref<1x80x128xf32, #tpu.memory_space<vmem>> -> memref<80x128xf32, #tpu.memory_space<vmem>>
      %dma_wait3A_171 = arith.constant 0 : i32
      %dma_wait3A_172 = tpu.memref_slice %arg7[%add3A_131, %dma_wait3A_171] : memref<10240x128xf32, #tpu.memory_space<vmem_shared>> -> memref<80x128xf32, #tpu.memory_space<vmem_shared>>
      %dma_wait3A_173 = arith.constant 0 : i32
      %dma_wait3A_174 = arith.constant 0 : i32
      %dma_wait3A_175 = tpu.memref_slice %arg5[%run_scoped3A_132, %dma_wait3A_173, %dma_wait3A_174] : memref<3x80x128xf32, #tpu.memory_space<vmem>> -> memref<1x80x128xf32, #tpu.memory_space<vmem>>
      %dma_wait3A_176 = tpu.memref_squeeze %dma_wait3A_175 : memref<1x80x128xf32, #tpu.memory_space<vmem>> -> memref<80x128xf32, #tpu.memory_space<vmem>>
      %dma_wait3A_177 = arith.constant 0 : i32
      %dma_wait3A_178 = tpu.memref_slice %arg7[%add3A_131, %dma_wait3A_177] : memref<10240x128xf32, #tpu.memory_space<vmem_shared>> -> memref<80x128xf32, #tpu.memory_space<vmem_shared>>
      tpu.wait_dma2 semaphore(%run_scoped3A_154 : memref<!tpu.dma_semaphore, #tpu.memory_space<semaphore_mem>>) src(%dma_wait3A_178 : memref<80x128xf32, #tpu.memory_space<vmem_shared>>) dst(%dma_wait3A_176 : memref<80x128xf32, #tpu.memory_space<vmem>>)
      tpu.yield
    }) : () -> ()
    %run_scoped3A_133 = arith.constant 0 : i32
    "tpu.region"() ({
      %run_scoped3A_154 = tpu.sem_alloc : memref<!tpu.dma_semaphore, #tpu.memory_space<semaphore_mem>>
      %dma_start3A_155 = arith.constant 0 : i32
      %dma_start3A_156 = arith.constant 0 : i32
      %dma_start3A_157 = tpu.memref_slice %arg5[%run_scoped3A_133, %dma_start3A_155, %dma_start3A_156] : memref<3x80x128xf32, #tpu.memory_space<vmem>> -> memref<1x80x128xf32, #tpu.memory_space<vmem>>
      %dma_start3A_158 = tpu.memref_squeeze %dma_start3A_157 : memref<1x80x128xf32, #tpu.memory_space<vmem>> -> memref<80x128xf32, #tpu.memory_space<vmem>>
      %dma_start3A_159 = arith.constant 0 : i32
      %dma_start3A_160 = tpu.memref_slice %arg4[%arg0, %add3A_131, %dma_start3A_159] : memref<2x10240x128xf32, #tpu.memory_space<hbm>> -> memref<1x80x128xf32, #tpu.memory_space<hbm>>
      %dma_start3A_161 = tpu.memref_squeeze %dma_start3A_160 : memref<1x80x128xf32, #tpu.memory_space<hbm>> -> memref<80x128xf32, #tpu.memory_space<hbm>>
      %dma_start3A_162 = arith.constant 0 : i32
      %dma_start3A_163 = tpu.memref_slice %arg4[%arg0, %add3A_131, %dma_start3A_162] : memref<2x10240x128xf32, #tpu.memory_space<hbm>> -> memref<1x80x128xf32, #tpu.memory_space<hbm>>
      %dma_start3A_164 = tpu.memref_squeeze %dma_start3A_163 : memref<1x80x128xf32, #tpu.memory_space<hbm>> -> memref<80x128xf32, #tpu.memory_space<hbm>>
      %dma_start3A_165 = arith.constant 0 : i32
      %dma_start3A_166 = arith.constant 0 : i32
      %dma_start3A_167 = tpu.memref_slice %arg5[%run_scoped3A_133, %dma_start3A_165, %dma_start3A_166] : memref<3x80x128xf32, #tpu.memory_space<vmem>> -> memref<1x80x128xf32, #tpu.memory_space<vmem>>
      %dma_start3A_168 = tpu.memref_squeeze %dma_start3A_167 : memref<1x80x128xf32, #tpu.memory_space<vmem>> -> memref<80x128xf32, #tpu.memory_space<vmem>>
      tpu.enqueue_dma source(%dma_start3A_168 : memref<80x128xf32, #tpu.memory_space<vmem>>) target(%dma_start3A_164 : memref<80x128xf32, #tpu.memory_space<hbm>>) target_semaphore(%run_scoped3A_154 : memref<!tpu.dma_semaphore, #tpu.memory_space<semaphore_mem>>)
      %dma_wait3A_169 = arith.constant 0 : i32
      %dma_wait3A_170 = arith.constant 0 : i32
      %dma_wait3A_171 = tpu.memref_slice %arg5[%run_scoped3A_133, %dma_wait3A_169, %dma_wait3A_170] : memref<3x80x128xf32, #tpu.memory_space<vmem>> -> memref<1x80x128xf32, #tpu.memory_space<vmem>>
      %dma_wait3A_172 = tpu.memref_squeeze %dma_wait3A_171 : memref<1x80x128xf32, #tpu.memory_space<vmem>> -> memref<80x128xf32, #tpu.memory_space<vmem>>
      %dma_wait3A_173 = arith.constant 0 : i32
      %dma_wait3A_174 = tpu.memref_slice %arg4[%arg0, %add3A_131, %dma_wait3A_173] : memref<2x10240x128xf32, #tpu.memory_space<hbm>> -> memref<1x80x128xf32, #tpu.memory_space<hbm>>
      %dma_wait3A_175 = tpu.memref_squeeze %dma_wait3A_174 : memref<1x80x128xf32, #tpu.memory_space<hbm>> -> memref<80x128xf32, #tpu.memory_space<hbm>>
      %dma_wait3A_176 = arith.constant 0 : i32
      %dma_wait3A_177 = tpu.memref_slice %arg4[%arg0, %add3A_131, %dma_wait3A_176] : memref<2x10240x128xf32, #tpu.memory_space<hbm>> -> memref<1x80x128xf32, #tpu.memory_space<hbm>>
      %dma_wait3A_178 = tpu.memref_squeeze %dma_wait3A_177 : memref<1x80x128xf32, #tpu.memory_space<hbm>> -> memref<80x128xf32, #tpu.memory_space<hbm>>
      %dma_wait3A_179 = arith.constant 0 : i32
      %dma_wait3A_180 = arith.constant 0 : i32
      %dma_wait3A_181 = tpu.memref_slice %arg5[%run_scoped3A_133, %dma_wait3A_179, %dma_wait3A_180] : memref<3x80x128xf32, #tpu.memory_space<vmem>> -> memref<1x80x128xf32, #tpu.memory_space<vmem>>
      %dma_wait3A_182 = tpu.memref_squeeze %dma_wait3A_181 : memref<1x80x128xf32, #tpu.memory_space<vmem>> -> memref<80x128xf32, #tpu.memory_space<vmem>>
      tpu.wait_dma2 semaphore(%run_scoped3A_154 : memref<!tpu.dma_semaphore, #tpu.memory_space<semaphore_mem>>) src(%dma_wait3A_182 : memref<80x128xf32, #tpu.memory_space<vmem>>) dst(%dma_wait3A_178 : memref<80x128xf32, #tpu.memory_space<hbm>>)
      tpu.yield
    }) : () -> ()
    %add3A_134 = arith.constant 240 : i32
    %add3A_135 = arith.addi %mul3A_59, %add3A_134 : i32
    %run_scoped3A_136 = arith.constant 0 : i32
    "tpu.region"() ({
      %run_scoped3A_154 = tpu.sem_alloc : memref<!tpu.dma_semaphore, #tpu.memory_space<semaphore_mem>>
      %dma_start3A_155 = arith.constant 0 : i32
      %dma_start3A_156 = arith.constant 0 : i32
      %dma_start3A_157 = tpu.memref_slice %arg5[%run_scoped3A_136, %dma_start3A_155, %dma_start3A_156] : memref<3x80x128xf32, #tpu.memory_space<vmem>> -> memref<1x80x128xf32, #tpu.memory_space<vmem>>
      %dma_start3A_158 = tpu.memref_squeeze %dma_start3A_157 : memref<1x80x128xf32, #tpu.memory_space<vmem>> -> memref<80x128xf32, #tpu.memory_space<vmem>>
      %dma_start3A_159 = arith.constant 0 : i32
      %dma_start3A_160 = tpu.memref_slice %arg7[%add3A_135, %dma_start3A_159] : memref<10240x128xf32, #tpu.memory_space<vmem_shared>> -> memref<80x128xf32, #tpu.memory_space<vmem_shared>>
      %dma_start3A_161 = arith.constant 0 : i32
      %dma_start3A_162 = arith.constant 0 : i32
      %dma_start3A_163 = tpu.memref_slice %arg5[%run_scoped3A_136, %dma_start3A_161, %dma_start3A_162] : memref<3x80x128xf32, #tpu.memory_space<vmem>> -> memref<1x80x128xf32, #tpu.memory_space<vmem>>
      %dma_start3A_164 = tpu.memref_squeeze %dma_start3A_163 : memref<1x80x128xf32, #tpu.memory_space<vmem>> -> memref<80x128xf32, #tpu.memory_space<vmem>>
      %dma_start3A_165 = arith.constant 0 : i32
      %dma_start3A_166 = tpu.memref_slice %arg7[%add3A_135, %dma_start3A_165] : memref<10240x128xf32, #tpu.memory_space<vmem_shared>> -> memref<80x128xf32, #tpu.memory_space<vmem_shared>>
      tpu.enqueue_dma source(%dma_start3A_166 : memref<80x128xf32, #tpu.memory_space<vmem_shared>>) target(%dma_start3A_164 : memref<80x128xf32, #tpu.memory_space<vmem>>) target_semaphore(%run_scoped3A_154 : memref<!tpu.dma_semaphore, #tpu.memory_space<semaphore_mem>>)
      %dma_wait3A_167 = arith.constant 0 : i32
      %dma_wait3A_168 = arith.constant 0 : i32
      %dma_wait3A_169 = tpu.memref_slice %arg5[%run_scoped3A_136, %dma_wait3A_167, %dma_wait3A_168] : memref<3x80x128xf32, #tpu.memory_space<vmem>> -> memref<1x80x128xf32, #tpu.memory_space<vmem>>
      %dma_wait3A_170 = tpu.memref_squeeze %dma_wait3A_169 : memref<1x80x128xf32, #tpu.memory_space<vmem>> -> memref<80x128xf32, #tpu.memory_space<vmem>>
      %dma_wait3A_171 = arith.constant 0 : i32
      %dma_wait3A_172 = tpu.memref_slice %arg7[%add3A_135, %dma_wait3A_171] : memref<10240x128xf32, #tpu.memory_space<vmem_shared>> -> memref<80x128xf32, #tpu.memory_space<vmem_shared>>
      %dma_wait3A_173 = arith.constant 0 : i32
      %dma_wait3A_174 = arith.constant 0 : i32
      %dma_wait3A_175 = tpu.memref_slice %arg5[%run_scoped3A_136, %dma_wait3A_173, %dma_wait3A_174] : memref<3x80x128xf32, #tpu.memory_space<vmem>> -> memref<1x80x128xf32, #tpu.memory_space<vmem>>
      %dma_wait3A_176 = tpu.memref_squeeze %dma_wait3A_175 : memref<1x80x128xf32, #tpu.memory_space<vmem>> -> memref<80x128xf32, #tpu.memory_space<vmem>>
      %dma_wait3A_177 = arith.constant 0 : i32
      %dma_wait3A_178 = tpu.memref_slice %arg7[%add3A_135, %dma_wait3A_177] : memref<10240x128xf32, #tpu.memory_space<vmem_shared>> -> memref<80x128xf32, #tpu.memory_space<vmem_shared>>
      tpu.wait_dma2 semaphore(%run_scoped3A_154 : memref<!tpu.dma_semaphore, #tpu.memory_space<semaphore_mem>>) src(%dma_wait3A_178 : memref<80x128xf32, #tpu.memory_space<vmem_shared>>) dst(%dma_wait3A_176 : memref<80x128xf32, #tpu.memory_space<vmem>>)
      tpu.yield
    }) : () -> ()
    %run_scoped3A_137 = arith.constant 0 : i32
    "tpu.region"() ({
      %run_scoped3A_154 = tpu.sem_alloc : memref<!tpu.dma_semaphore, #tpu.memory_space<semaphore_mem>>
      %dma_start3A_155 = arith.constant 0 : i32
      %dma_start3A_156 = arith.constant 0 : i32
      %dma_start3A_157 = tpu.memref_slice %arg5[%run_scoped3A_137, %dma_start3A_155, %dma_start3A_156] : memref<3x80x128xf32, #tpu.memory_space<vmem>> -> memref<1x80x128xf32, #tpu.memory_space<vmem>>
      %dma_start3A_158 = tpu.memref_squeeze %dma_start3A_157 : memref<1x80x128xf32, #tpu.memory_space<vmem>> -> memref<80x128xf32, #tpu.memory_space<vmem>>
      %dma_start3A_159 = arith.constant 0 : i32
      %dma_start3A_160 = tpu.memref_slice %arg4[%arg0, %add3A_135, %dma_start3A_159] : memref<2x10240x128xf32, #tpu.memory_space<hbm>> -> memref<1x80x128xf32, #tpu.memory_space<hbm>>
      %dma_start3A_161 = tpu.memref_squeeze %dma_start3A_160 : memref<1x80x128xf32, #tpu.memory_space<hbm>> -> memref<80x128xf32, #tpu.memory_space<hbm>>
      %dma_start3A_162 = arith.constant 0 : i32
      %dma_start3A_163 = tpu.memref_slice %arg4[%arg0, %add3A_135, %dma_start3A_162] : memref<2x10240x128xf32, #tpu.memory_space<hbm>> -> memref<1x80x128xf32, #tpu.memory_space<hbm>>
      %dma_start3A_164 = tpu.memref_squeeze %dma_start3A_163 : memref<1x80x128xf32, #tpu.memory_space<hbm>> -> memref<80x128xf32, #tpu.memory_space<hbm>>
      %dma_start3A_165 = arith.constant 0 : i32
      %dma_start3A_166 = arith.constant 0 : i32
      %dma_start3A_167 = tpu.memref_slice %arg5[%run_scoped3A_137, %dma_start3A_165, %dma_start3A_166] : memref<3x80x128xf32, #tpu.memory_space<vmem>> -> memref<1x80x128xf32, #tpu.memory_space<vmem>>
      %dma_start3A_168 = tpu.memref_squeeze %dma_start3A_167 : memref<1x80x128xf32, #tpu.memory_space<vmem>> -> memref<80x128xf32, #tpu.memory_space<vmem>>
      tpu.enqueue_dma source(%dma_start3A_168 : memref<80x128xf32, #tpu.memory_space<vmem>>) target(%dma_start3A_164 : memref<80x128xf32, #tpu.memory_space<hbm>>) target_semaphore(%run_scoped3A_154 : memref<!tpu.dma_semaphore, #tpu.memory_space<semaphore_mem>>)
      %dma_wait3A_169 = arith.constant 0 : i32
      %dma_wait3A_170 = arith.constant 0 : i32
      %dma_wait3A_171 = tpu.memref_slice %arg5[%run_scoped3A_137, %dma_wait3A_169, %dma_wait3A_170] : memref<3x80x128xf32, #tpu.memory_space<vmem>> -> memref<1x80x128xf32, #tpu.memory_space<vmem>>
      %dma_wait3A_172 = tpu.memref_squeeze %dma_wait3A_171 : memref<1x80x128xf32, #tpu.memory_space<vmem>> -> memref<80x128xf32, #tpu.memory_space<vmem>>
      %dma_wait3A_173 = arith.constant 0 : i32
      %dma_wait3A_174 = tpu.memref_slice %arg4[%arg0, %add3A_135, %dma_wait3A_173] : memref<2x10240x128xf32, #tpu.memory_space<hbm>> -> memref<1x80x128xf32, #tpu.memory_space<hbm>>
      %dma_wait3A_175 = tpu.memref_squeeze %dma_wait3A_174 : memref<1x80x128xf32, #tpu.memory_space<hbm>> -> memref<80x128xf32, #tpu.memory_space<hbm>>
      %dma_wait3A_176 = arith.constant 0 : i32
      %dma_wait3A_177 = tpu.memref_slice %arg4[%arg0, %add3A_135, %dma_wait3A_176] : memref<2x10240x128xf32, #tpu.memory_space<hbm>> -> memref<1x80x128xf32, #tpu.memory_space<hbm>>
      %dma_wait3A_178 = tpu.memref_squeeze %dma_wait3A_177 : memref<1x80x128xf32, #tpu.memory_space<hbm>> -> memref<80x128xf32, #tpu.memory_space<hbm>>
      %dma_wait3A_179 = arith.constant 0 : i32
      %dma_wait3A_180 = arith.constant 0 : i32
      %dma_wait3A_181 = tpu.memref_slice %arg5[%run_scoped3A_137, %dma_wait3A_179, %dma_wait3A_180] : memref<3x80x128xf32, #tpu.memory_space<vmem>> -> memref<1x80x128xf32, #tpu.memory_space<vmem>>
      %dma_wait3A_182 = tpu.memref_squeeze %dma_wait3A_181 : memref<1x80x128xf32, #tpu.memory_space<vmem>> -> memref<80x128xf32, #tpu.memory_space<vmem>>
      tpu.wait_dma2 semaphore(%run_scoped3A_154 : memref<!tpu.dma_semaphore, #tpu.memory_space<semaphore_mem>>) src(%dma_wait3A_182 : memref<80x128xf32, #tpu.memory_space<vmem>>) dst(%dma_wait3A_178 : memref<80x128xf32, #tpu.memory_space<hbm>>)
      tpu.yield
    }) : () -> ()
    %add3A_138 = arith.constant 320 : i32
    %add3A_139 = arith.addi %mul3A_59, %add3A_138 : i32
    %run_scoped3A_140 = arith.constant 0 : i32
    "tpu.region"() ({
      %run_scoped3A_154 = tpu.sem_alloc : memref<!tpu.dma_semaphore, #tpu.memory_space<semaphore_mem>>
      %dma_start3A_155 = arith.constant 0 : i32
      %dma_start3A_156 = arith.constant 0 : i32
      %dma_start3A_157 = tpu.memref_slice %arg5[%run_scoped3A_140, %dma_start3A_155, %dma_start3A_156] : memref<3x80x128xf32, #tpu.memory_space<vmem>> -> memref<1x80x128xf32, #tpu.memory_space<vmem>>
      %dma_start3A_158 = tpu.memref_squeeze %dma_start3A_157 : memref<1x80x128xf32, #tpu.memory_space<vmem>> -> memref<80x128xf32, #tpu.memory_space<vmem>>
      %dma_start3A_159 = arith.constant 0 : i32
      %dma_start3A_160 = tpu.memref_slice %arg7[%add3A_139, %dma_start3A_159] : memref<10240x128xf32, #tpu.memory_space<vmem_shared>> -> memref<80x128xf32, #tpu.memory_space<vmem_shared>>
      %dma_start3A_161 = arith.constant 0 : i32
      %dma_start3A_162 = arith.constant 0 : i32
      %dma_start3A_163 = tpu.memref_slice %arg5[%run_scoped3A_140, %dma_start3A_161, %dma_start3A_162] : memref<3x80x128xf32, #tpu.memory_space<vmem>> -> memref<1x80x128xf32, #tpu.memory_space<vmem>>
      %dma_start3A_164 = tpu.memref_squeeze %dma_start3A_163 : memref<1x80x128xf32, #tpu.memory_space<vmem>> -> memref<80x128xf32, #tpu.memory_space<vmem>>
      %dma_start3A_165 = arith.constant 0 : i32
      %dma_start3A_166 = tpu.memref_slice %arg7[%add3A_139, %dma_start3A_165] : memref<10240x128xf32, #tpu.memory_space<vmem_shared>> -> memref<80x128xf32, #tpu.memory_space<vmem_shared>>
      tpu.enqueue_dma source(%dma_start3A_166 : memref<80x128xf32, #tpu.memory_space<vmem_shared>>) target(%dma_start3A_164 : memref<80x128xf32, #tpu.memory_space<vmem>>) target_semaphore(%run_scoped3A_154 : memref<!tpu.dma_semaphore, #tpu.memory_space<semaphore_mem>>)
      %dma_wait3A_167 = arith.constant 0 : i32
      %dma_wait3A_168 = arith.constant 0 : i32
      %dma_wait3A_169 = tpu.memref_slice %arg5[%run_scoped3A_140, %dma_wait3A_167, %dma_wait3A_168] : memref<3x80x128xf32, #tpu.memory_space<vmem>> -> memref<1x80x128xf32, #tpu.memory_space<vmem>>
      %dma_wait3A_170 = tpu.memref_squeeze %dma_wait3A_169 : memref<1x80x128xf32, #tpu.memory_space<vmem>> -> memref<80x128xf32, #tpu.memory_space<vmem>>
      %dma_wait3A_171 = arith.constant 0 : i32
      %dma_wait3A_172 = tpu.memref_slice %arg7[%add3A_139, %dma_wait3A_171] : memref<10240x128xf32, #tpu.memory_space<vmem_shared>> -> memref<80x128xf32, #tpu.memory_space<vmem_shared>>
      %dma_wait3A_173 = arith.constant 0 : i32
      %dma_wait3A_174 = arith.constant 0 : i32
      %dma_wait3A_175 = tpu.memref_slice %arg5[%run_scoped3A_140, %dma_wait3A_173, %dma_wait3A_174] : memref<3x80x128xf32, #tpu.memory_space<vmem>> -> memref<1x80x128xf32, #tpu.memory_space<vmem>>
      %dma_wait3A_176 = tpu.memref_squeeze %dma_wait3A_175 : memref<1x80x128xf32, #tpu.memory_space<vmem>> -> memref<80x128xf32, #tpu.memory_space<vmem>>
      %dma_wait3A_177 = arith.constant 0 : i32
      %dma_wait3A_178 = tpu.memref_slice %arg7[%add3A_139, %dma_wait3A_177] : memref<10240x128xf32, #tpu.memory_space<vmem_shared>> -> memref<80x128xf32, #tpu.memory_space<vmem_shared>>
      tpu.wait_dma2 semaphore(%run_scoped3A_154 : memref<!tpu.dma_semaphore, #tpu.memory_space<semaphore_mem>>) src(%dma_wait3A_178 : memref<80x128xf32, #tpu.memory_space<vmem_shared>>) dst(%dma_wait3A_176 : memref<80x128xf32, #tpu.memory_space<vmem>>)
      tpu.yield
    }) : () -> ()
    %run_scoped3A_141 = arith.constant 0 : i32
    "tpu.region"() ({
      %run_scoped3A_154 = tpu.sem_alloc : memref<!tpu.dma_semaphore, #tpu.memory_space<semaphore_mem>>
      %dma_start3A_155 = arith.constant 0 : i32
      %dma_start3A_156 = arith.constant 0 : i32
      %dma_start3A_157 = tpu.memref_slice %arg5[%run_scoped3A_141, %dma_start3A_155, %dma_start3A_156] : memref<3x80x128xf32, #tpu.memory_space<vmem>> -> memref<1x80x128xf32, #tpu.memory_space<vmem>>
      %dma_start3A_158 = tpu.memref_squeeze %dma_start3A_157 : memref<1x80x128xf32, #tpu.memory_space<vmem>> -> memref<80x128xf32, #tpu.memory_space<vmem>>
      %dma_start3A_159 = arith.constant 0 : i32
      %dma_start3A_160 = tpu.memref_slice %arg4[%arg0, %add3A_139, %dma_start3A_159] : memref<2x10240x128xf32, #tpu.memory_space<hbm>> -> memref<1x80x128xf32, #tpu.memory_space<hbm>>
      %dma_start3A_161 = tpu.memref_squeeze %dma_start3A_160 : memref<1x80x128xf32, #tpu.memory_space<hbm>> -> memref<80x128xf32, #tpu.memory_space<hbm>>
      %dma_start3A_162 = arith.constant 0 : i32
      %dma_start3A_163 = tpu.memref_slice %arg4[%arg0, %add3A_139, %dma_start3A_162] : memref<2x10240x128xf32, #tpu.memory_space<hbm>> -> memref<1x80x128xf32, #tpu.memory_space<hbm>>
      %dma_start3A_164 = tpu.memref_squeeze %dma_start3A_163 : memref<1x80x128xf32, #tpu.memory_space<hbm>> -> memref<80x128xf32, #tpu.memory_space<hbm>>
      %dma_start3A_165 = arith.constant 0 : i32
      %dma_start3A_166 = arith.constant 0 : i32
      %dma_start3A_167 = tpu.memref_slice %arg5[%run_scoped3A_141, %dma_start3A_165, %dma_start3A_166] : memref<3x80x128xf32, #tpu.memory_space<vmem>> -> memref<1x80x128xf32, #tpu.memory_space<vmem>>
      %dma_start3A_168 = tpu.memref_squeeze %dma_start3A_167 : memref<1x80x128xf32, #tpu.memory_space<vmem>> -> memref<80x128xf32, #tpu.memory_space<vmem>>
      tpu.enqueue_dma source(%dma_start3A_168 : memref<80x128xf32, #tpu.memory_space<vmem>>) target(%dma_start3A_164 : memref<80x128xf32, #tpu.memory_space<hbm>>) target_semaphore(%run_scoped3A_154 : memref<!tpu.dma_semaphore, #tpu.memory_space<semaphore_mem>>)
      %dma_wait3A_169 = arith.constant 0 : i32
      %dma_wait3A_170 = arith.constant 0 : i32
      %dma_wait3A_171 = tpu.memref_slice %arg5[%run_scoped3A_141, %dma_wait3A_169, %dma_wait3A_170] : memref<3x80x128xf32, #tpu.memory_space<vmem>> -> memref<1x80x128xf32, #tpu.memory_space<vmem>>
      %dma_wait3A_172 = tpu.memref_squeeze %dma_wait3A_171 : memref<1x80x128xf32, #tpu.memory_space<vmem>> -> memref<80x128xf32, #tpu.memory_space<vmem>>
      %dma_wait3A_173 = arith.constant 0 : i32
      %dma_wait3A_174 = tpu.memref_slice %arg4[%arg0, %add3A_139, %dma_wait3A_173] : memref<2x10240x128xf32, #tpu.memory_space<hbm>> -> memref<1x80x128xf32, #tpu.memory_space<hbm>>
      %dma_wait3A_175 = tpu.memref_squeeze %dma_wait3A_174 : memref<1x80x128xf32, #tpu.memory_space<hbm>> -> memref<80x128xf32, #tpu.memory_space<hbm>>
      %dma_wait3A_176 = arith.constant 0 : i32
      %dma_wait3A_177 = tpu.memref_slice %arg4[%arg0, %add3A_139, %dma_wait3A_176] : memref<2x10240x128xf32, #tpu.memory_space<hbm>> -> memref<1x80x128xf32, #tpu.memory_space<hbm>>
      %dma_wait3A_178 = tpu.memref_squeeze %dma_wait3A_177 : memref<1x80x128xf32, #tpu.memory_space<hbm>> -> memref<80x128xf32, #tpu.memory_space<hbm>>
      %dma_wait3A_179 = arith.constant 0 : i32
      %dma_wait3A_180 = arith.constant 0 : i32
      %dma_wait3A_181 = tpu.memref_slice %arg5[%run_scoped3A_141, %dma_wait3A_179, %dma_wait3A_180] : memref<3x80x128xf32, #tpu.memory_space<vmem>> -> memref<1x80x128xf32, #tpu.memory_space<vmem>>
      %dma_wait3A_182 = tpu.memref_squeeze %dma_wait3A_181 : memref<1x80x128xf32, #tpu.memory_space<vmem>> -> memref<80x128xf32, #tpu.memory_space<vmem>>
      tpu.wait_dma2 semaphore(%run_scoped3A_154 : memref<!tpu.dma_semaphore, #tpu.memory_space<semaphore_mem>>) src(%dma_wait3A_182 : memref<80x128xf32, #tpu.memory_space<vmem>>) dst(%dma_wait3A_178 : memref<80x128xf32, #tpu.memory_space<hbm>>)
      tpu.yield
    }) : () -> ()
    %add3A_142 = arith.constant 400 : i32
    %add3A_143 = arith.addi %mul3A_59, %add3A_142 : i32
    %run_scoped3A_144 = arith.constant 0 : i32
    "tpu.region"() ({
      %run_scoped3A_154 = tpu.sem_alloc : memref<!tpu.dma_semaphore, #tpu.memory_space<semaphore_mem>>
      %dma_start3A_155 = arith.constant 0 : i32
      %dma_start3A_156 = arith.constant 0 : i32
      %dma_start3A_157 = tpu.memref_slice %arg5[%run_scoped3A_144, %dma_start3A_155, %dma_start3A_156] : memref<3x80x128xf32, #tpu.memory_space<vmem>> -> memref<1x80x128xf32, #tpu.memory_space<vmem>>
      %dma_start3A_158 = tpu.memref_squeeze %dma_start3A_157 : memref<1x80x128xf32, #tpu.memory_space<vmem>> -> memref<80x128xf32, #tpu.memory_space<vmem>>
      %dma_start3A_159 = arith.constant 0 : i32
      %dma_start3A_160 = tpu.memref_slice %arg7[%add3A_143, %dma_start3A_159] : memref<10240x128xf32, #tpu.memory_space<vmem_shared>> -> memref<80x128xf32, #tpu.memory_space<vmem_shared>>
      %dma_start3A_161 = arith.constant 0 : i32
      %dma_start3A_162 = arith.constant 0 : i32
      %dma_start3A_163 = tpu.memref_slice %arg5[%run_scoped3A_144, %dma_start3A_161, %dma_start3A_162] : memref<3x80x128xf32, #tpu.memory_space<vmem>> -> memref<1x80x128xf32, #tpu.memory_space<vmem>>
      %dma_start3A_164 = tpu.memref_squeeze %dma_start3A_163 : memref<1x80x128xf32, #tpu.memory_space<vmem>> -> memref<80x128xf32, #tpu.memory_space<vmem>>
      %dma_start3A_165 = arith.constant 0 : i32
      %dma_start3A_166 = tpu.memref_slice %arg7[%add3A_143, %dma_start3A_165] : memref<10240x128xf32, #tpu.memory_space<vmem_shared>> -> memref<80x128xf32, #tpu.memory_space<vmem_shared>>
      tpu.enqueue_dma source(%dma_start3A_166 : memref<80x128xf32, #tpu.memory_space<vmem_shared>>) target(%dma_start3A_164 : memref<80x128xf32, #tpu.memory_space<vmem>>) target_semaphore(%run_scoped3A_154 : memref<!tpu.dma_semaphore, #tpu.memory_space<semaphore_mem>>)
      %dma_wait3A_167 = arith.constant 0 : i32
      %dma_wait3A_168 = arith.constant 0 : i32
      %dma_wait3A_169 = tpu.memref_slice %arg5[%run_scoped3A_144, %dma_wait3A_167, %dma_wait3A_168] : memref<3x80x128xf32, #tpu.memory_space<vmem>> -> memref<1x80x128xf32, #tpu.memory_space<vmem>>
      %dma_wait3A_170 = tpu.memref_squeeze %dma_wait3A_169 : memref<1x80x128xf32, #tpu.memory_space<vmem>> -> memref<80x128xf32, #tpu.memory_space<vmem>>
      %dma_wait3A_171 = arith.constant 0 : i32
      %dma_wait3A_172 = tpu.memref_slice %arg7[%add3A_143, %dma_wait3A_171] : memref<10240x128xf32, #tpu.memory_space<vmem_shared>> -> memref<80x128xf32, #tpu.memory_space<vmem_shared>>
      %dma_wait3A_173 = arith.constant 0 : i32
      %dma_wait3A_174 = arith.constant 0 : i32
      %dma_wait3A_175 = tpu.memref_slice %arg5[%run_scoped3A_144, %dma_wait3A_173, %dma_wait3A_174] : memref<3x80x128xf32, #tpu.memory_space<vmem>> -> memref<1x80x128xf32, #tpu.memory_space<vmem>>
      %dma_wait3A_176 = tpu.memref_squeeze %dma_wait3A_175 : memref<1x80x128xf32, #tpu.memory_space<vmem>> -> memref<80x128xf32, #tpu.memory_space<vmem>>
      %dma_wait3A_177 = arith.constant 0 : i32
      %dma_wait3A_178 = tpu.memref_slice %arg7[%add3A_143, %dma_wait3A_177] : memref<10240x128xf32, #tpu.memory_space<vmem_shared>> -> memref<80x128xf32, #tpu.memory_space<vmem_shared>>
      tpu.wait_dma2 semaphore(%run_scoped3A_154 : memref<!tpu.dma_semaphore, #tpu.memory_space<semaphore_mem>>) src(%dma_wait3A_178 : memref<80x128xf32, #tpu.memory_space<vmem_shared>>) dst(%dma_wait3A_176 : memref<80x128xf32, #tpu.memory_space<vmem>>)
      tpu.yield
    }) : () -> ()
    %run_scoped3A_145 = arith.constant 0 : i32
    "tpu.region"() ({
      %run_scoped3A_154 = tpu.sem_alloc : memref<!tpu.dma_semaphore, #tpu.memory_space<semaphore_mem>>
      %dma_start3A_155 = arith.constant 0 : i32
      %dma_start3A_156 = arith.constant 0 : i32
      %dma_start3A_157 = tpu.memref_slice %arg5[%run_scoped3A_145, %dma_start3A_155, %dma_start3A_156] : memref<3x80x128xf32, #tpu.memory_space<vmem>> -> memref<1x80x128xf32, #tpu.memory_space<vmem>>
      %dma_start3A_158 = tpu.memref_squeeze %dma_start3A_157 : memref<1x80x128xf32, #tpu.memory_space<vmem>> -> memref<80x128xf32, #tpu.memory_space<vmem>>
      %dma_start3A_159 = arith.constant 0 : i32
      %dma_start3A_160 = tpu.memref_slice %arg4[%arg0, %add3A_143, %dma_start3A_159] : memref<2x10240x128xf32, #tpu.memory_space<hbm>> -> memref<1x80x128xf32, #tpu.memory_space<hbm>>
      %dma_start3A_161 = tpu.memref_squeeze %dma_start3A_160 : memref<1x80x128xf32, #tpu.memory_space<hbm>> -> memref<80x128xf32, #tpu.memory_space<hbm>>
      %dma_start3A_162 = arith.constant 0 : i32
      %dma_start3A_163 = tpu.memref_slice %arg4[%arg0, %add3A_143, %dma_start3A_162] : memref<2x10240x128xf32, #tpu.memory_space<hbm>> -> memref<1x80x128xf32, #tpu.memory_space<hbm>>
      %dma_start3A_164 = tpu.memref_squeeze %dma_start3A_163 : memref<1x80x128xf32, #tpu.memory_space<hbm>> -> memref<80x128xf32, #tpu.memory_space<hbm>>
      %dma_start3A_165 = arith.constant 0 : i32
      %dma_start3A_166 = arith.constant 0 : i32
      %dma_start3A_167 = tpu.memref_slice %arg5[%run_scoped3A_145, %dma_start3A_165, %dma_start3A_166] : memref<3x80x128xf32, #tpu.memory_space<vmem>> -> memref<1x80x128xf32, #tpu.memory_space<vmem>>
      %dma_start3A_168 = tpu.memref_squeeze %dma_start3A_167 : memref<1x80x128xf32, #tpu.memory_space<vmem>> -> memref<80x128xf32, #tpu.memory_space<vmem>>
      tpu.enqueue_dma source(%dma_start3A_168 : memref<80x128xf32, #tpu.memory_space<vmem>>) target(%dma_start3A_164 : memref<80x128xf32, #tpu.memory_space<hbm>>) target_semaphore(%run_scoped3A_154 : memref<!tpu.dma_semaphore, #tpu.memory_space<semaphore_mem>>)
      %dma_wait3A_169 = arith.constant 0 : i32
      %dma_wait3A_170 = arith.constant 0 : i32
      %dma_wait3A_171 = tpu.memref_slice %arg5[%run_scoped3A_145, %dma_wait3A_169, %dma_wait3A_170] : memref<3x80x128xf32, #tpu.memory_space<vmem>> -> memref<1x80x128xf32, #tpu.memory_space<vmem>>
      %dma_wait3A_172 = tpu.memref_squeeze %dma_wait3A_171 : memref<1x80x128xf32, #tpu.memory_space<vmem>> -> memref<80x128xf32, #tpu.memory_space<vmem>>
      %dma_wait3A_173 = arith.constant 0 : i32
      %dma_wait3A_174 = tpu.memref_slice %arg4[%arg0, %add3A_143, %dma_wait3A_173] : memref<2x10240x128xf32, #tpu.memory_space<hbm>> -> memref<1x80x128xf32, #tpu.memory_space<hbm>>
      %dma_wait3A_175 = tpu.memref_squeeze %dma_wait3A_174 : memref<1x80x128xf32, #tpu.memory_space<hbm>> -> memref<80x128xf32, #tpu.memory_space<hbm>>
      %dma_wait3A_176 = arith.constant 0 : i32
      %dma_wait3A_177 = tpu.memref_slice %arg4[%arg0, %add3A_143, %dma_wait3A_176] : memref<2x10240x128xf32, #tpu.memory_space<hbm>> -> memref<1x80x128xf32, #tpu.memory_space<hbm>>
      %dma_wait3A_178 = tpu.memref_squeeze %dma_wait3A_177 : memref<1x80x128xf32, #tpu.memory_space<hbm>> -> memref<80x128xf32, #tpu.memory_space<hbm>>
      %dma_wait3A_179 = arith.constant 0 : i32
      %dma_wait3A_180 = arith.constant 0 : i32
      %dma_wait3A_181 = tpu.memref_slice %arg5[%run_scoped3A_145, %dma_wait3A_179, %dma_wait3A_180] : memref<3x80x128xf32, #tpu.memory_space<vmem>> -> memref<1x80x128xf32, #tpu.memory_space<vmem>>
      %dma_wait3A_182 = tpu.memref_squeeze %dma_wait3A_181 : memref<1x80x128xf32, #tpu.memory_space<vmem>> -> memref<80x128xf32, #tpu.memory_space<vmem>>
      tpu.wait_dma2 semaphore(%run_scoped3A_154 : memref<!tpu.dma_semaphore, #tpu.memory_space<semaphore_mem>>) src(%dma_wait3A_182 : memref<80x128xf32, #tpu.memory_space<vmem>>) dst(%dma_wait3A_178 : memref<80x128xf32, #tpu.memory_space<hbm>>)
      tpu.yield
    }) : () -> ()
    %add3A_146 = arith.constant 480 : i32
    %add3A_147 = arith.addi %mul3A_59, %add3A_146 : i32
    %run_scoped3A_148 = arith.constant 0 : i32
    "tpu.region"() ({
      %run_scoped3A_154 = tpu.sem_alloc : memref<!tpu.dma_semaphore, #tpu.memory_space<semaphore_mem>>
      %dma_start3A_155 = arith.constant 0 : i32
      %dma_start3A_156 = arith.constant 0 : i32
      %dma_start3A_157 = tpu.memref_slice %arg5[%run_scoped3A_148, %dma_start3A_155, %dma_start3A_156] : memref<3x80x128xf32, #tpu.memory_space<vmem>> -> memref<1x80x128xf32, #tpu.memory_space<vmem>>
      %dma_start3A_158 = tpu.memref_squeeze %dma_start3A_157 : memref<1x80x128xf32, #tpu.memory_space<vmem>> -> memref<80x128xf32, #tpu.memory_space<vmem>>
      %dma_start3A_159 = arith.constant 0 : i32
      %dma_start3A_160 = tpu.memref_slice %arg7[%add3A_147, %dma_start3A_159] : memref<10240x128xf32, #tpu.memory_space<vmem_shared>> -> memref<80x128xf32, #tpu.memory_space<vmem_shared>>
      %dma_start3A_161 = arith.constant 0 : i32
      %dma_start3A_162 = arith.constant 0 : i32
      %dma_start3A_163 = tpu.memref_slice %arg5[%run_scoped3A_148, %dma_start3A_161, %dma_start3A_162] : memref<3x80x128xf32, #tpu.memory_space<vmem>> -> memref<1x80x128xf32, #tpu.memory_space<vmem>>
      %dma_start3A_164 = tpu.memref_squeeze %dma_start3A_163 : memref<1x80x128xf32, #tpu.memory_space<vmem>> -> memref<80x128xf32, #tpu.memory_space<vmem>>
      %dma_start3A_165 = arith.constant 0 : i32
      %dma_start3A_166 = tpu.memref_slice %arg7[%add3A_147, %dma_start3A_165] : memref<10240x128xf32, #tpu.memory_space<vmem_shared>> -> memref<80x128xf32, #tpu.memory_space<vmem_shared>>
      tpu.enqueue_dma source(%dma_start3A_166 : memref<80x128xf32, #tpu.memory_space<vmem_shared>>) target(%dma_start3A_164 : memref<80x128xf32, #tpu.memory_space<vmem>>) target_semaphore(%run_scoped3A_154 : memref<!tpu.dma_semaphore, #tpu.memory_space<semaphore_mem>>)
      %dma_wait3A_167 = arith.constant 0 : i32
      %dma_wait3A_168 = arith.constant 0 : i32
      %dma_wait3A_169 = tpu.memref_slice %arg5[%run_scoped3A_148, %dma_wait3A_167, %dma_wait3A_168] : memref<3x80x128xf32, #tpu.memory_space<vmem>> -> memref<1x80x128xf32, #tpu.memory_space<vmem>>
      %dma_wait3A_170 = tpu.memref_squeeze %dma_wait3A_169 : memref<1x80x128xf32, #tpu.memory_space<vmem>> -> memref<80x128xf32, #tpu.memory_space<vmem>>
      %dma_wait3A_171 = arith.constant 0 : i32
      %dma_wait3A_172 = tpu.memref_slice %arg7[%add3A_147, %dma_wait3A_171] : memref<10240x128xf32, #tpu.memory_space<vmem_shared>> -> memref<80x128xf32, #tpu.memory_space<vmem_shared>>
      %dma_wait3A_173 = arith.constant 0 : i32
      %dma_wait3A_174 = arith.constant 0 : i32
      %dma_wait3A_175 = tpu.memref_slice %arg5[%run_scoped3A_148, %dma_wait3A_173, %dma_wait3A_174] : memref<3x80x128xf32, #tpu.memory_space<vmem>> -> memref<1x80x128xf32, #tpu.memory_space<vmem>>
      %dma_wait3A_176 = tpu.memref_squeeze %dma_wait3A_175 : memref<1x80x128xf32, #tpu.memory_space<vmem>> -> memref<80x128xf32, #tpu.memory_space<vmem>>
      %dma_wait3A_177 = arith.constant 0 : i32
      %dma_wait3A_178 = tpu.memref_slice %arg7[%add3A_147, %dma_wait3A_177] : memref<10240x128xf32, #tpu.memory_space<vmem_shared>> -> memref<80x128xf32, #tpu.memory_space<vmem_shared>>
      tpu.wait_dma2 semaphore(%run_scoped3A_154 : memref<!tpu.dma_semaphore, #tpu.memory_space<semaphore_mem>>) src(%dma_wait3A_178 : memref<80x128xf32, #tpu.memory_space<vmem_shared>>) dst(%dma_wait3A_176 : memref<80x128xf32, #tpu.memory_space<vmem>>)
      tpu.yield
    }) : () -> ()
    %run_scoped3A_149 = arith.constant 0 : i32
    "tpu.region"() ({
      %run_scoped3A_154 = tpu.sem_alloc : memref<!tpu.dma_semaphore, #tpu.memory_space<semaphore_mem>>
      %dma_start3A_155 = arith.constant 0 : i32
      %dma_start3A_156 = arith.constant 0 : i32
      %dma_start3A_157 = tpu.memref_slice %arg5[%run_scoped3A_149, %dma_start3A_155, %dma_start3A_156] : memref<3x80x128xf32, #tpu.memory_space<vmem>> -> memref<1x80x128xf32, #tpu.memory_space<vmem>>
      %dma_start3A_158 = tpu.memref_squeeze %dma_start3A_157 : memref<1x80x128xf32, #tpu.memory_space<vmem>> -> memref<80x128xf32, #tpu.memory_space<vmem>>
      %dma_start3A_159 = arith.constant 0 : i32
      %dma_start3A_160 = tpu.memref_slice %arg4[%arg0, %add3A_147, %dma_start3A_159] : memref<2x10240x128xf32, #tpu.memory_space<hbm>> -> memref<1x80x128xf32, #tpu.memory_space<hbm>>
      %dma_start3A_161 = tpu.memref_squeeze %dma_start3A_160 : memref<1x80x128xf32, #tpu.memory_space<hbm>> -> memref<80x128xf32, #tpu.memory_space<hbm>>
      %dma_start3A_162 = arith.constant 0 : i32
      %dma_start3A_163 = tpu.memref_slice %arg4[%arg0, %add3A_147, %dma_start3A_162] : memref<2x10240x128xf32, #tpu.memory_space<hbm>> -> memref<1x80x128xf32, #tpu.memory_space<hbm>>
      %dma_start3A_164 = tpu.memref_squeeze %dma_start3A_163 : memref<1x80x128xf32, #tpu.memory_space<hbm>> -> memref<80x128xf32, #tpu.memory_space<hbm>>
      %dma_start3A_165 = arith.constant 0 : i32
      %dma_start3A_166 = arith.constant 0 : i32
      %dma_start3A_167 = tpu.memref_slice %arg5[%run_scoped3A_149, %dma_start3A_165, %dma_start3A_166] : memref<3x80x128xf32, #tpu.memory_space<vmem>> -> memref<1x80x128xf32, #tpu.memory_space<vmem>>
      %dma_start3A_168 = tpu.memref_squeeze %dma_start3A_167 : memref<1x80x128xf32, #tpu.memory_space<vmem>> -> memref<80x128xf32, #tpu.memory_space<vmem>>
      tpu.enqueue_dma source(%dma_start3A_168 : memref<80x128xf32, #tpu.memory_space<vmem>>) target(%dma_start3A_164 : memref<80x128xf32, #tpu.memory_space<hbm>>) target_semaphore(%run_scoped3A_154 : memref<!tpu.dma_semaphore, #tpu.memory_space<semaphore_mem>>)
      %dma_wait3A_169 = arith.constant 0 : i32
      %dma_wait3A_170 = arith.constant 0 : i32
      %dma_wait3A_171 = tpu.memref_slice %arg5[%run_scoped3A_149, %dma_wait3A_169, %dma_wait3A_170] : memref<3x80x128xf32, #tpu.memory_space<vmem>> -> memref<1x80x128xf32, #tpu.memory_space<vmem>>
      %dma_wait3A_172 = tpu.memref_squeeze %dma_wait3A_171 : memref<1x80x128xf32, #tpu.memory_space<vmem>> -> memref<80x128xf32, #tpu.memory_space<vmem>>
      %dma_wait3A_173 = arith.constant 0 : i32
      %dma_wait3A_174 = tpu.memref_slice %arg4[%arg0, %add3A_147, %dma_wait3A_173] : memref<2x10240x128xf32, #tpu.memory_space<hbm>> -> memref<1x80x128xf32, #tpu.memory_space<hbm>>
      %dma_wait3A_175 = tpu.memref_squeeze %dma_wait3A_174 : memref<1x80x128xf32, #tpu.memory_space<hbm>> -> memref<80x128xf32, #tpu.memory_space<hbm>>
      %dma_wait3A_176 = arith.constant 0 : i32
      %dma_wait3A_177 = tpu.memref_slice %arg4[%arg0, %add3A_147, %dma_wait3A_176] : memref<2x10240x128xf32, #tpu.memory_space<hbm>> -> memref<1x80x128xf32, #tpu.memory_space<hbm>>
      %dma_wait3A_178 = tpu.memref_squeeze %dma_wait3A_177 : memref<1x80x128xf32, #tpu.memory_space<hbm>> -> memref<80x128xf32, #tpu.memory_space<hbm>>
      %dma_wait3A_179 = arith.constant 0 : i32
      %dma_wait3A_180 = arith.constant 0 : i32
      %dma_wait3A_181 = tpu.memref_slice %arg5[%run_scoped3A_149, %dma_wait3A_179, %dma_wait3A_180] : memref<3x80x128xf32, #tpu.memory_space<vmem>> -> memref<1x80x128xf32, #tpu.memory_space<vmem>>
      %dma_wait3A_182 = tpu.memref_squeeze %dma_wait3A_181 : memref<1x80x128xf32, #tpu.memory_space<vmem>> -> memref<80x128xf32, #tpu.memory_space<vmem>>
      tpu.wait_dma2 semaphore(%run_scoped3A_154 : memref<!tpu.dma_semaphore, #tpu.memory_space<semaphore_mem>>) src(%dma_wait3A_182 : memref<80x128xf32, #tpu.memory_space<vmem>>) dst(%dma_wait3A_178 : memref<80x128xf32, #tpu.memory_space<hbm>>)
      tpu.yield
    }) : () -> ()
    %add3A_150 = arith.constant 560 : i32
    %add3A_151 = arith.addi %mul3A_59, %add3A_150 : i32
    %run_scoped3A_152 = arith.constant 0 : i32
    "tpu.region"() ({
      %run_scoped3A_154 = tpu.sem_alloc : memref<!tpu.dma_semaphore, #tpu.memory_space<semaphore_mem>>
      %dma_start3A_155 = arith.constant 0 : i32
      %dma_start3A_156 = arith.constant 0 : i32
      %dma_start3A_157 = tpu.memref_slice %arg5[%run_scoped3A_152, %dma_start3A_155, %dma_start3A_156] : memref<3x80x128xf32, #tpu.memory_space<vmem>> -> memref<1x80x128xf32, #tpu.memory_space<vmem>>
      %dma_start3A_158 = tpu.memref_squeeze %dma_start3A_157 : memref<1x80x128xf32, #tpu.memory_space<vmem>> -> memref<80x128xf32, #tpu.memory_space<vmem>>
      %dma_start3A_159 = arith.constant 0 : i32
      %dma_start3A_160 = tpu.memref_slice %arg7[%add3A_151, %dma_start3A_159] : memref<10240x128xf32, #tpu.memory_space<vmem_shared>> -> memref<80x128xf32, #tpu.memory_space<vmem_shared>>
      %dma_start3A_161 = arith.constant 0 : i32
      %dma_start3A_162 = arith.constant 0 : i32
      %dma_start3A_163 = tpu.memref_slice %arg5[%run_scoped3A_152, %dma_start3A_161, %dma_start3A_162] : memref<3x80x128xf32, #tpu.memory_space<vmem>> -> memref<1x80x128xf32, #tpu.memory_space<vmem>>
      %dma_start3A_164 = tpu.memref_squeeze %dma_start3A_163 : memref<1x80x128xf32, #tpu.memory_space<vmem>> -> memref<80x128xf32, #tpu.memory_space<vmem>>
      %dma_start3A_165 = arith.constant 0 : i32
      %dma_start3A_166 = tpu.memref_slice %arg7[%add3A_151, %dma_start3A_165] : memref<10240x128xf32, #tpu.memory_space<vmem_shared>> -> memref<80x128xf32, #tpu.memory_space<vmem_shared>>
      tpu.enqueue_dma source(%dma_start3A_166 : memref<80x128xf32, #tpu.memory_space<vmem_shared>>) target(%dma_start3A_164 : memref<80x128xf32, #tpu.memory_space<vmem>>) target_semaphore(%run_scoped3A_154 : memref<!tpu.dma_semaphore, #tpu.memory_space<semaphore_mem>>)
      %dma_wait3A_167 = arith.constant 0 : i32
      %dma_wait3A_168 = arith.constant 0 : i32
      %dma_wait3A_169 = tpu.memref_slice %arg5[%run_scoped3A_152, %dma_wait3A_167, %dma_wait3A_168] : memref<3x80x128xf32, #tpu.memory_space<vmem>> -> memref<1x80x128xf32, #tpu.memory_space<vmem>>
      %dma_wait3A_170 = tpu.memref_squeeze %dma_wait3A_169 : memref<1x80x128xf32, #tpu.memory_space<vmem>> -> memref<80x128xf32, #tpu.memory_space<vmem>>
      %dma_wait3A_171 = arith.constant 0 : i32
      %dma_wait3A_172 = tpu.memref_slice %arg7[%add3A_151, %dma_wait3A_171] : memref<10240x128xf32, #tpu.memory_space<vmem_shared>> -> memref<80x128xf32, #tpu.memory_space<vmem_shared>>
      %dma_wait3A_173 = arith.constant 0 : i32
      %dma_wait3A_174 = arith.constant 0 : i32
      %dma_wait3A_175 = tpu.memref_slice %arg5[%run_scoped3A_152, %dma_wait3A_173, %dma_wait3A_174] : memref<3x80x128xf32, #tpu.memory_space<vmem>> -> memref<1x80x128xf32, #tpu.memory_space<vmem>>
      %dma_wait3A_176 = tpu.memref_squeeze %dma_wait3A_175 : memref<1x80x128xf32, #tpu.memory_space<vmem>> -> memref<80x128xf32, #tpu.memory_space<vmem>>
      %dma_wait3A_177 = arith.constant 0 : i32
      %dma_wait3A_178 = tpu.memref_slice %arg7[%add3A_151, %dma_wait3A_177] : memref<10240x128xf32, #tpu.memory_space<vmem_shared>> -> memref<80x128xf32, #tpu.memory_space<vmem_shared>>
      tpu.wait_dma2 semaphore(%run_scoped3A_154 : memref<!tpu.dma_semaphore, #tpu.memory_space<semaphore_mem>>) src(%dma_wait3A_178 : memref<80x128xf32, #tpu.memory_space<vmem_shared>>) dst(%dma_wait3A_176 : memref<80x128xf32, #tpu.memory_space<vmem>>)
      tpu.yield
    }) : () -> ()
    %run_scoped3A_153 = arith.constant 0 : i32
    "tpu.region"() ({
      %run_scoped3A_154 = tpu.sem_alloc : memref<!tpu.dma_semaphore, #tpu.memory_space<semaphore_mem>>
      %dma_start3A_155 = arith.constant 0 : i32
      %dma_start3A_156 = arith.constant 0 : i32
      %dma_start3A_157 = tpu.memref_slice %arg5[%run_scoped3A_153, %dma_start3A_155, %dma_start3A_156] : memref<3x80x128xf32, #tpu.memory_space<vmem>> -> memref<1x80x128xf32, #tpu.memory_space<vmem>>
      %dma_start3A_158 = tpu.memref_squeeze %dma_start3A_157 : memref<1x80x128xf32, #tpu.memory_space<vmem>> -> memref<80x128xf32, #tpu.memory_space<vmem>>
      %dma_start3A_159 = arith.constant 0 : i32
      %dma_start3A_160 = tpu.memref_slice %arg4[%arg0, %add3A_151, %dma_start3A_159] : memref<2x10240x128xf32, #tpu.memory_space<hbm>> -> memref<1x80x128xf32, #tpu.memory_space<hbm>>
      %dma_start3A_161 = tpu.memref_squeeze %dma_start3A_160 : memref<1x80x128xf32, #tpu.memory_space<hbm>> -> memref<80x128xf32, #tpu.memory_space<hbm>>
      %dma_start3A_162 = arith.constant 0 : i32
      %dma_start3A_163 = tpu.memref_slice %arg4[%arg0, %add3A_151, %dma_start3A_162] : memref<2x10240x128xf32, #tpu.memory_space<hbm>> -> memref<1x80x128xf32, #tpu.memory_space<hbm>>
      %dma_start3A_164 = tpu.memref_squeeze %dma_start3A_163 : memref<1x80x128xf32, #tpu.memory_space<hbm>> -> memref<80x128xf32, #tpu.memory_space<hbm>>
      %dma_start3A_165 = arith.constant 0 : i32
      %dma_start3A_166 = arith.constant 0 : i32
      %dma_start3A_167 = tpu.memref_slice %arg5[%run_scoped3A_153, %dma_start3A_165, %dma_start3A_166] : memref<3x80x128xf32, #tpu.memory_space<vmem>> -> memref<1x80x128xf32, #tpu.memory_space<vmem>>
      %dma_start3A_168 = tpu.memref_squeeze %dma_start3A_167 : memref<1x80x128xf32, #tpu.memory_space<vmem>> -> memref<80x128xf32, #tpu.memory_space<vmem>>
      tpu.enqueue_dma source(%dma_start3A_168 : memref<80x128xf32, #tpu.memory_space<vmem>>) target(%dma_start3A_164 : memref<80x128xf32, #tpu.memory_space<hbm>>) target_semaphore(%run_scoped3A_154 : memref<!tpu.dma_semaphore, #tpu.memory_space<semaphore_mem>>)
      %dma_wait3A_169 = arith.constant 0 : i32
      %dma_wait3A_170 = arith.constant 0 : i32
      %dma_wait3A_171 = tpu.memref_slice %arg5[%run_scoped3A_153, %dma_wait3A_169, %dma_wait3A_170] : memref<3x80x128xf32, #tpu.memory_space<vmem>> -> memref<1x80x128xf32, #tpu.memory_space<vmem>>
      %dma_wait3A_172 = tpu.memref_squeeze %dma_wait3A_171 : memref<1x80x128xf32, #tpu.memory_space<vmem>> -> memref<80x128xf32, #tpu.memory_space<vmem>>
      %dma_wait3A_173 = arith.constant 0 : i32
      %dma_wait3A_174 = tpu.memref_slice %arg4[%arg0, %add3A_151, %dma_wait3A_173] : memref<2x10240x128xf32, #tpu.memory_space<hbm>> -> memref<1x80x128xf32, #tpu.memory_space<hbm>>
      %dma_wait3A_175 = tpu.memref_squeeze %dma_wait3A_174 : memref<1x80x128xf32, #tpu.memory_space<hbm>> -> memref<80x128xf32, #tpu.memory_space<hbm>>
      %dma_wait3A_176 = arith.constant 0 : i32
      %dma_wait3A_177 = tpu.memref_slice %arg4[%arg0, %add3A_151, %dma_wait3A_176] : memref<2x10240x128xf32, #tpu.memory_space<hbm>> -> memref<1x80x128xf32, #tpu.memory_space<hbm>>
      %dma_wait3A_178 = tpu.memref_squeeze %dma_wait3A_177 : memref<1x80x128xf32, #tpu.memory_space<hbm>> -> memref<80x128xf32, #tpu.memory_space<hbm>>
      %dma_wait3A_179 = arith.constant 0 : i32
      %dma_wait3A_180 = arith.constant 0 : i32
      %dma_wait3A_181 = tpu.memref_slice %arg5[%run_scoped3A_153, %dma_wait3A_179, %dma_wait3A_180] : memref<3x80x128xf32, #tpu.memory_space<vmem>> -> memref<1x80x128xf32, #tpu.memory_space<vmem>>
      %dma_wait3A_182 = tpu.memref_squeeze %dma_wait3A_181 : memref<1x80x128xf32, #tpu.memory_space<vmem>> -> memref<80x128xf32, #tpu.memory_space<vmem>>
      tpu.wait_dma2 semaphore(%run_scoped3A_154 : memref<!tpu.dma_semaphore, #tpu.memory_space<semaphore_mem>>) src(%dma_wait3A_182 : memref<80x128xf32, #tpu.memory_space<vmem>>) dst(%dma_wait3A_178 : memref<80x128xf32, #tpu.memory_space<hbm>>)
      tpu.yield
    }) : () -> ()
    return
  }
}

module attributes {stable_mosaic.version = 14 : i64} {
  func.func @_mlp_body(%arg0: i32, %arg1: memref<2000x128xf32, #tpu.memory_space<vmem>>, %arg2: memref<1x2000x128xf32, #tpu.memory_space<vmem>>, %arg3: memref<1x2000x128xf32, #tpu.memory_space<vmem>>, %arg4: memref<256x256xf32, #tpu.memory_space<vmem>>, %arg5: memref<1x256xf32, #tpu.memory_space<vmem>>, %arg6: memref<256x256xf32, #tpu.memory_space<vmem>>, %arg7: memref<1x256xf32, #tpu.memory_space<vmem>>, %arg8: memref<256x128xf32, #tpu.memory_space<vmem>>, %arg9: memref<1x128xf32, #tpu.memory_space<vmem>>, %arg10: memref<2000x128xf32, #tpu.memory_space<vmem>>) attributes {dimension_semantics = [#tpu.dimension_semantics<arbitrary>], iteration_bounds = array<i64: 5>, scalar_prefetch = 0 : i64, scratch_operands = 0 : i64, tpu.core_type = #tpu.core_type<tc>, window_params = [{transform_indices = @transform_0, window_bounds = array<i64: 2000, 128>}, {transform_indices = @transform_1, window_bounds = array<i64: 1, 2000, 128>}, {transform_indices = @transform_2, window_bounds = array<i64: 1, 2000, 128>}, {pipeline_mode = #tpu.pipeline_mode<synchronous>, transform_indices = @transform_3, window_bounds = array<i64: 256, 256>}, {pipeline_mode = #tpu.pipeline_mode<synchronous>, transform_indices = @transform_4, window_bounds = array<i64: 1, 256>}, {pipeline_mode = #tpu.pipeline_mode<synchronous>, transform_indices = @transform_5, window_bounds = array<i64: 256, 256>}, {pipeline_mode = #tpu.pipeline_mode<synchronous>, transform_indices = @transform_6, window_bounds = array<i64: 1, 256>}, {pipeline_mode = #tpu.pipeline_mode<synchronous>, transform_indices = @transform_7, window_bounds = array<i64: 256, 128>}, {pipeline_mode = #tpu.pipeline_mode<synchronous>, transform_indices = @transform_8, window_bounds = array<i64: 1, 128>}, {transform_indices = @transform_9, window_bounds = array<i64: 2000, 128>}]} {
    %get3A = arith.constant 0 : index
    %get3A_0 = arith.constant 0 : index
    %get3A_1 = vector.load %arg1[%get3A, %get3A_0] : memref<2000x128xf32, #tpu.memory_space<vmem>>, vector<2000x128xf32>
    %get3A_2 = arith.constant 0 : index
    %get3A_3 = arith.constant 0 : index
    %get3A_4 = arith.constant 0 : index
    %get3A_5 = vector.load %arg2[%get3A_2, %get3A_3, %get3A_4] : memref<1x2000x128xf32, #tpu.memory_space<vmem>>, vector<1x2000x128xf32>
    %get3A_6 = vector.shape_cast %get3A_5 : vector<1x2000x128xf32> to vector<2000x128xf32>
    %get3A_7 = arith.constant 0 : index
    %get3A_8 = arith.constant 0 : index
    %get3A_9 = arith.constant 0 : index
    %get3A_10 = vector.load %arg3[%get3A_7, %get3A_8, %get3A_9] : memref<1x2000x128xf32, #tpu.memory_space<vmem>>, vector<1x2000x128xf32>
    %get3A_11 = vector.shape_cast %get3A_10 : vector<1x2000x128xf32> to vector<2000x128xf32>
    %add3A = arith.addf %get3A_6, %get3A_11 : vector<2000x128xf32>
    %get3A_12 = arith.constant 0 : index
    %get3A_13 = arith.constant 0 : index
    %get3A_14 = vector.load %arg4[%get3A_12, %get3A_13] : memref<256x256xf32, #tpu.memory_space<vmem>>, vector<128x256xf32>
    %convert_element_type3A = arith.truncf %get3A_1 : vector<2000x128xf32> to vector<2000x128xbf16>
    %convert_element_type3A_15 = arith.truncf %get3A_14 : vector<128x256xf32> to vector<128x256xbf16>
    %dot_general3A = arith.constant dense<0.000000e+00> : vector<2000x256xf32>
    %dot_general3A_16 = tpu.matmul %convert_element_type3A, %convert_element_type3A_15, %dot_general3A {dimension_numbers = #tpu.dot_dimension_numbers<[1], [0], [0], [1], [0, 0, 1, 1], [], []>, transpose_lhs_hint = false} : vector<2000x128xbf16>, vector<128x256xbf16>, vector<2000x256xf32> -> vector<2000x256xf32>
    %get3A_17 = arith.constant 128 : index
    %get3A_18 = arith.constant 0 : index
    %get3A_19 = vector.load %arg4[%get3A_17, %get3A_18] : memref<256x256xf32, #tpu.memory_space<vmem>>, vector<128x256xf32>
    %convert_element_type3A_20 = arith.truncf %add3A : vector<2000x128xf32> to vector<2000x128xbf16>
    %convert_element_type3A_21 = arith.truncf %get3A_19 : vector<128x256xf32> to vector<128x256xbf16>
    %dot_general3A_22 = arith.constant dense<0.000000e+00> : vector<2000x256xf32>
    %dot_general3A_23 = tpu.matmul %convert_element_type3A_20, %convert_element_type3A_21, %dot_general3A_22 {dimension_numbers = #tpu.dot_dimension_numbers<[1], [0], [0], [1], [0, 0, 1, 1], [], []>, transpose_lhs_hint = false} : vector<2000x128xbf16>, vector<128x256xbf16>, vector<2000x256xf32> -> vector<2000x256xf32>
    %add3A_24 = arith.addf %dot_general3A_16, %dot_general3A_23 : vector<2000x256xf32>
    %get3A_25 = arith.constant 0 : index
    %get3A_26 = arith.constant 0 : index
    %get3A_27 = vector.load %arg5[%get3A_25, %get3A_26] : memref<1x256xf32, #tpu.memory_space<vmem>>, vector<1x256xf32>
    %add3A_28 = vector.broadcast %get3A_27 : vector<1x256xf32> to vector<2000x256xf32>
    %add3A_29 = arith.addf %add3A_24, %add3A_28 : vector<2000x256xf32>
    %logistic3A = arith.negf %add3A_29 : vector<2000x256xf32>
    %logistic3A_30 = math.exp %logistic3A : vector<2000x256xf32>
    %logistic3A_31 = arith.constant 1.000000e+00 : f32
    %logistic3A_32 = vector.broadcast %logistic3A_31 : f32 to vector<2000x256xf32>
    %logistic3A_33 = arith.addf %logistic3A_32, %logistic3A_30 : vector<2000x256xf32>
    %logistic3A_34 = arith.divf %logistic3A_32, %logistic3A_33 : vector<2000x256xf32>
    %mul3A = arith.mulf %add3A_29, %logistic3A_34 : vector<2000x256xf32>
    %get3A_35 = arith.constant 0 : index
    %get3A_36 = arith.constant 0 : index
    %get3A_37 = vector.load %arg6[%get3A_35, %get3A_36] : memref<256x256xf32, #tpu.memory_space<vmem>>, vector<256x256xf32>
    %convert_element_type3A_38 = arith.truncf %mul3A : vector<2000x256xf32> to vector<2000x256xbf16>
    %convert_element_type3A_39 = arith.truncf %get3A_37 : vector<256x256xf32> to vector<256x256xbf16>
    %dot_general3A_40 = arith.constant dense<0.000000e+00> : vector<2000x256xf32>
    %dot_general3A_41 = tpu.matmul %convert_element_type3A_38, %convert_element_type3A_39, %dot_general3A_40 {dimension_numbers = #tpu.dot_dimension_numbers<[1], [0], [0], [1], [0, 0, 1, 1], [], []>, transpose_lhs_hint = false} : vector<2000x256xbf16>, vector<256x256xbf16>, vector<2000x256xf32> -> vector<2000x256xf32>
    %get3A_42 = arith.constant 0 : index
    %get3A_43 = arith.constant 0 : index
    %get3A_44 = vector.load %arg7[%get3A_42, %get3A_43] : memref<1x256xf32, #tpu.memory_space<vmem>>, vector<1x256xf32>
    %add3A_45 = vector.broadcast %get3A_44 : vector<1x256xf32> to vector<2000x256xf32>
    %add3A_46 = arith.addf %dot_general3A_41, %add3A_45 : vector<2000x256xf32>
    %logistic3A_47 = arith.negf %add3A_46 : vector<2000x256xf32>
    %logistic3A_48 = math.exp %logistic3A_47 : vector<2000x256xf32>
    %logistic3A_49 = arith.constant 1.000000e+00 : f32
    %logistic3A_50 = vector.broadcast %logistic3A_49 : f32 to vector<2000x256xf32>
    %logistic3A_51 = arith.addf %logistic3A_50, %logistic3A_48 : vector<2000x256xf32>
    %logistic3A_52 = arith.divf %logistic3A_50, %logistic3A_51 : vector<2000x256xf32>
    %mul3A_53 = arith.mulf %add3A_46, %logistic3A_52 : vector<2000x256xf32>
    %get3A_54 = arith.constant 0 : index
    %get3A_55 = arith.constant 0 : index
    %get3A_56 = vector.load %arg8[%get3A_54, %get3A_55] : memref<256x128xf32, #tpu.memory_space<vmem>>, vector<256x128xf32>
    %convert_element_type3A_57 = arith.truncf %mul3A_53 : vector<2000x256xf32> to vector<2000x256xbf16>
    %convert_element_type3A_58 = arith.truncf %get3A_56 : vector<256x128xf32> to vector<256x128xbf16>
    %dot_general3A_59 = arith.constant dense<0.000000e+00> : vector<2000x128xf32>
    %dot_general3A_60 = tpu.matmul %convert_element_type3A_57, %convert_element_type3A_58, %dot_general3A_59 {dimension_numbers = #tpu.dot_dimension_numbers<[1], [0], [0], [1], [0, 0, 1, 1], [], []>, transpose_lhs_hint = false} : vector<2000x256xbf16>, vector<256x128xbf16>, vector<2000x128xf32> -> vector<2000x128xf32>
    %add3A_61 = arith.addf %get3A_1, %dot_general3A_60 : vector<2000x128xf32>
    %get3A_62 = arith.constant 0 : index
    %get3A_63 = arith.constant 0 : index
    %get3A_64 = vector.load %arg9[%get3A_62, %get3A_63] : memref<1x128xf32, #tpu.memory_space<vmem>>, vector<1x128xf32>
    %add3A_65 = vector.broadcast %get3A_64 : vector<1x128xf32> to vector<2000x128xf32>
    %add3A_66 = arith.addf %add3A_61, %add3A_65 : vector<2000x128xf32>
    %swap3A = arith.constant 0 : index
    %swap3A_67 = arith.constant 0 : index
    %swap3A_68 = vector.load %arg10[%swap3A, %swap3A_67] : memref<2000x128xf32, #tpu.memory_space<vmem>>, vector<2000x128xf32>
    tpu.vector_store %arg10[%swap3A, %swap3A_67], %add3A_66 {strides = array<i32>} : memref<2000x128xf32, #tpu.memory_space<vmem>>, vector<2000x128xf32>,
    return
  }
  func.func @transform_0(%arg0: i32) -> (i32, i32) {
    %c0_i32 = arith.constant 0 : i32
    %c0_i32_0 = arith.constant 0 : i32
    return %arg0, %c0_i32 : i32, i32
  }
  func.func @transform_1(%arg0: i32) -> (i32, i32, i32) {
    %c0_i32 = arith.constant 0 : i32
    %c0_i32_0 = arith.constant 0 : i32
    %c0_i32_1 = arith.constant 0 : i32
    return %c0_i32, %arg0, %c0_i32_0 : i32, i32, i32
  }
  func.func @transform_2(%arg0: i32) -> (i32, i32, i32) {
    %c1_i32 = arith.constant 1 : i32
    %c0_i32 = arith.constant 0 : i32
    %c0_i32_0 = arith.constant 0 : i32
    return %c1_i32, %arg0, %c0_i32 : i32, i32, i32
  }
  func.func @transform_3(%arg0: i32) -> (i32, i32) {
    %c0_i32 = arith.constant 0 : i32
    %c0_i32_0 = arith.constant 0 : i32
    %c0_i32_1 = arith.constant 0 : i32
    return %c0_i32, %c0_i32_0 : i32, i32
  }
  func.func @transform_4(%arg0: i32) -> (i32, i32) {
    %c0_i32 = arith.constant 0 : i32
    %c0_i32_0 = arith.constant 0 : i32
    %c0_i32_1 = arith.constant 0 : i32
    return %c0_i32, %c0_i32_0 : i32, i32
  }
  func.func @transform_5(%arg0: i32) -> (i32, i32) {
    %c0_i32 = arith.constant 0 : i32
    %c0_i32_0 = arith.constant 0 : i32
    %c0_i32_1 = arith.constant 0 : i32
    return %c0_i32, %c0_i32_0 : i32, i32
  }
  func.func @transform_6(%arg0: i32) -> (i32, i32) {
    %c0_i32 = arith.constant 0 : i32
    %c0_i32_0 = arith.constant 0 : i32
    %c0_i32_1 = arith.constant 0 : i32
    return %c0_i32, %c0_i32_0 : i32, i32
  }
  func.func @transform_7(%arg0: i32) -> (i32, i32) {
    %c0_i32 = arith.constant 0 : i32
    %c0_i32_0 = arith.constant 0 : i32
    %c0_i32_1 = arith.constant 0 : i32
    return %c0_i32, %c0_i32_0 : i32, i32
  }
  func.func @transform_8(%arg0: i32) -> (i32, i32) {
    %c0_i32 = arith.constant 0 : i32
    %c0_i32_0 = arith.constant 0 : i32
    %c0_i32_1 = arith.constant 0 : i32
    return %c0_i32, %c0_i32_0 : i32, i32
  }
  func.func @transform_9(%arg0: i32) -> (i32, i32) {
    %c0_i32 = arith.constant 0 : i32
    %c0_i32_0 = arith.constant 0 : i32
    return %arg0, %c0_i32 : i32, i32
  }
}

</mosaic_0001>

<sc_bundles>
// kernel: kernel.4.cloned.1.call-start
scs
__scs_entry_jumppad:
0x0: {  	(pc) =	sbr.rel $0x88, $3  }
0x1: {  	(tag) =	ssettag $0x0;
	lr =	simm.s32 $0x1  }
0x2: {  	[smem:$0x3F98] =	sst lr;
	_ =	strace $0xD0000000  }
0x3: {  	_ = 	snop  }
0x4: {  	_ = 	snop  }
0x5: {  	_ = 	snop  }
0x6: {  	_ = 	snop  }
0x7: {  	_ = 	snop  }
__scs_overlays_trampoline_lowered:
0x8: {  	[smem:$0x3FA7] =	sst s0  }
0x9: {  	[smem:$0x3FA8] =	sst s1  }
0xa: {  	[smem:$0x3FA9] =	sst s2  }
0xb: {  	[smem:$0x3FAA] =	sst s3  }
0xc: {  	[smem:$0x3FAB] =	sst s4  }
0xd: {  	[smem:$0x3FAC] =	sst s5  }
0xe: {  	[smem:$0x3FAD] =	sst s6  }
0xf: {  	[smem:$0x3FAE] =	sst s7  }
0x10: {  	[smem:$0x3FAF] =	sst s8  }
0x11: {  	[smem:$0x3FB0] =	sst s9;
	s0 =	simm.s32 @!p0 $0x0  }
0x12: {  	s1 =	sld [smem:$0x3F96];
	s0 =	simm.s32 @p0 $0x1  }
0x13: {  	[smem:$0x3FB1] =	sst s0;
	s0 =	simm.s32 @!p1 $0x0  }
0x14: {  	s2 =	sld [smem:$0x3F95];
	s0 =	simm.s32 @p1 $0x1  }
0x15: {  	[smem:$0x3FB2] =	sst s0;
	s0 =	simm.s32 @!p2 $0x0  }
0x16: {  	s3 =	sld [smem:$0x3FDB];
	s0 =	simm.s32 @p2 $0x1  }
0x17: {  	s4 =	simm.s32 $0x1BF5;
	[smem:$0x3FB4] =	sst s0  }
0x18: {  	s0 =	sld [smem:$0x3F97];
	_ =	swait.ge [sflag:s4], $0x0  }
0x19: {  	s7 =	sld [smem:$0x3F98]  }
0x1a: {  	s8 =	sadd.s32 $0xFFFFE003, lr  }
0x1b: {  	s9 =	sadd.s32 $0xFFFFFEF7, lr;
	s5 =	simm.s32 $0xFFFFFFFF;
	p2 =	slt.u32 s8, $0xFFFFF086  }
0x1c: {  	p1 =	slt.u32 s9, $0xF7A;
	s5 =	simm.s32 @!p2 $0x0  }
0x1d: {  	s5 =	simm.s32 @p1 $0x1;
	p0 =	seq.s32 s7, s2  }
0x1e: {  	s7 =	smul.u32 @!p0 $0xF7A, s2;
	p2 =	seq.s32 @!p0 s5, $0x0  }
0x1f: {  	s9 =	smul.u32 $0xF7A, s1;
	s8 =	simm.s32 @!p0 $0x1BF5;
	p2 =	por !p2, p0  }
0x20: {  	[sflag:s8] =	ssyncset.s32 @!p0 $0xFFFFF086;
	s6 =	sadd.s32 @!p0 s3, s7;
	s7 =	simm.s32 @!p0 $0x108  }
0x21: {  	s3 =	sadd.s32 s3, s9;
	s6 =	sadd.s32 @!p0 $0x88, s6;
	s7 =	simm.s32 @p2 $0x1082  }
0x22: {  	[simem:s7], [sflag:s8] =	dma.local @!p0 [hbm:s6], $0xF7A  }
0x23: {  	s9 =	sor.u32 $0xD0000000, s2;
	s6 =	simm.s32 $0x108;
	_ =	swait.ge @!p0 [sflag:s8], $0x0  }
0x24: {  	s3 =	sadd.s32 $0x88, s3;
	s6 =	simm.s32 @!p1 $0x1082;
	[sflag:s4] =	ssyncset.s32 $0xFFFFF086  }
0x25: {  	[simem:s6], [sflag:s4] =	dma.local [hbm:s3], $0xF7A  }
0x26: {  	[smem:$0x3F98] =	sst s1;
	(tag) =	ssettag s2;
	_ =	strace s9  }
0x27: {  	s1 =	sld [smem:$0x3FA8]  }
0x28: {  	s2 =	sld [smem:$0x3FA9]  }
0x29: {  	s4 =	sld [smem:$0x3FAB]  }
0x2a: {  	p0 =	seq.s32 s5, $0x0;
	s5 =	sld [smem:$0x3FAC]  }
0x2b: {  	s6 =	sld [smem:$0x3FAD]  }
0x2c: {  	s7 =	sld [smem:$0x3FAE]  }
0x2d: {  	s3 =	simm.s32 $0x108;
	s8 =	sld [smem:$0x3FAF]  }
0x2e: {  	s3 =	simm.s32 @!p0 $0x1082;
	s9 =	sld [smem:$0x3FB0]  }
0x2f: {  	lr =	sadd.s32 s0, s3;
	s0 =	sld [smem:$0x3FA7]  }
0x30: {  	s3 =	sld [smem:$0x3FAA]  }
0x31: {  	[smem:$0x3FB3] =	sst s10  }
0x32: {  	s10 =	sld [smem:$0x3FB1];
	_ =	sdelay $0x3  }
0x33: {  	p0 =	seq.s32 s10, $0x1;
	s10 =	sld [smem:$0x3FB3];
	_ =	sdelay $0x3  }
0x34: {  	[smem:$0x3FB3] =	sst s10  }
0x35: {  	s10 =	sld [smem:$0x3FB2];
	_ =	sdelay $0x3  }
0x36: {  	p1 =	seq.s32 s10, $0x1;
	s10 =	sld [smem:$0x3FB3];
	_ =	sdelay $0x3  }
0x37: {  	[smem:$0x3FB3] =	sst s10  }
0x38: {  	s10 =	sld [smem:$0x3FB4]  }
0x39: {  	_ = 	snop;
	(pc) =	sbr.ind lr, $3  }
0x3a: {  	_ = 	snop  }
0x3b: {  	_ = 	snop  }
0x3c: {  	p2 =	seq.s32 s10, $0x1;
	s10 =	sld [smem:$0x3FB3]  }
0x3d: {  	_ =	shalt  }
0x3e: {  	_ =	shalt  }
0x3f: {  	_ =	shalt  }
0x40: {  	_ =	shalt  }
0x41: {  	_ =	shalt  }
0x42: {  	_ =	shalt  }
0x43: {  	_ =	shalt  }
0x44: {  	_ =	shalt  }
0x45: {  	_ =	shalt  }
0x46: {  	_ =	shalt  }
0x47: {  	_ =	shalt  }
0x48: {  	_ =	shalt  }
0x49: {  	_ =	shalt  }
0x4a: {  	_ =	shalt  }
0x4b: {  	_ =	shalt  }
0x4c: {  	_ =	shalt  }
0x4d: {  	_ =	shalt  }
0x4e: {  	_ =	shalt  }
0x4f: {  	_ =	shalt  }
0x50: {  	_ =	shalt  }
0x51: {  	_ =	shalt  }
0x52: {  	_ =	shalt  }
0x53: {  	_ =	shalt  }
0x54: {  	_ =	shalt  }
0x55: {  	_ =	shalt  }
0x56: {  	_ =	shalt  }
0x57: {  	_ =	shalt  }
0x58: {  	_ =	shalt  }
0x59: {  	_ =	shalt  }
0x5a: {  	_ =	shalt  }
0x5b: {  	_ =	shalt  }
0x5c: {  	_ =	shalt  }
0x5d: {  	_ =	shalt  }
0x5e: {  	_ =	shalt  }
0x5f: {  	_ =	shalt  }
0x60: {  	_ =	shalt  }
0x61: {  	_ =	shalt  }
0x62: {  	_ =	shalt  }
0x63: {  	_ =	shalt  }
0x64: {  	_ =	shalt  }
0x65: {  	_ =	shalt  }
0x66: {  	_ =	shalt  }
0x67: {  	_ =	shalt  }
0x68: {  	_ =	shalt  }
0x69: {  	_ =	shalt  }
0x6a: {  	_ =	shalt  }
0x6b: {  	_ =	shalt  }
0x6c: {  	_ =	shalt  }
0x6d: {  	_ =	shalt  }
0x6e: {  	_ =	shalt  }
0x6f: {  	_ =	shalt  }
0x70: {  	_ =	shalt  }
0x71: {  	_ =	shalt  }
0x72: {  	_ =	shalt  }
0x73: {  	_ =	shalt  }
0x74: {  	_ =	shalt  }
0x75: {  	_ =	shalt  }
0x76: {  	_ =	shalt  }
0x77: {  	_ =	shalt  }
0x78: {  	_ =	shalt  }
0x79: {  	_ =	shalt  }
0x7a: {  	_ =	shalt  }
0x7b: {  	_ =	shalt  }
0x7c: {  	_ =	shalt  }
0x7d: {  	_ =	shalt  }
0x7e: {  	_ =	shalt  }
0x7f: {  	_ =	shalt  }
0x80: {  	_ =	shalt  }
0x81: {  	_ =	shalt  }
0x82: {  	_ =	shalt  }
0x83: {  	_ =	shalt  }
0x84: {  	_ =	shalt  }
0x85: {  	_ =	shalt  }
0x86: {  	_ =	shalt  }
0x87: {  	_ =	shalt  }
.Lfunc_end0:
.L_simem_size_0:
called_computation_lowered:
.L_overlay_start_0:
0x88: {  	s2 =	sld [smem:$0x3FD9]  }
0x89: {  	s3 =	sld [smem:$0x3FFE];
	_ =	sdelay $0x1  }
0x8a: {  	s1 =	srdreg.scid  }
0x8b: {  	s0 =	sand.u32 $0x1, s1  }
0x8c: {  	s17 =	sshll.u32 s0, $0xA;
	s2 =	sadd.s32 s3, s2  }
0x8d: {  	s2 =	sadd.s32 s2, s17  }
0x8e: {  	[smem:$0x3FBF] =	sst s2  }
0x8f: {  	_ = 	snop  }
0x90: {  	s2 =	sld [smem:$0x3FC7]  }
0x91: {  	s18 =	sld [smem:$0x3FD0];
	(tm) =	ssettm $0x1  }
0x92: {  	s4 =	sld [smem:$0x3FFB];
	_ =	sdelay $0x3  }
0x93: {  	_ =	strace s4  }
0x94: {  	s4 =	sld [smem:$0x3FFC];
	_ =	sdelay $0x3  }
0x95: {  	_ =	strace s4  }
0x96: {  	s4 =	sld [smem:$0x3FFD];
	_ =	sdelay $0x3  }
0x97: {  	_ =	strace s4  }
0x98: {  	_ =	strace $0x8FFFFFFF  }
0x99: {  	s19 =	sld [smem:$0x3FDB];
	_ =	sdelay $0x1  }
0x9a: {  	s5 =	simm.s32 $_scs_section_size  }
0x9b: {  	s6 =	simm.s32 $_size__tile_overlayer_lowered;
	s7 =	simm.s32 $_tile_overlayer_lowered  }
0x9c: {  	s22 =	simm.s32 $0x1BFF;
	s21 =	sshll.u32 s7, $0x1;
	s4 =	sadd.s32 s5, s19  }
0x9d: {  	s8 =	simm.s32 $0x0;
	s20 =	sshll.u32 s6, $0x1;
	s6 =	sadd.s32 s21, s4  }
0x9e: {  	[timem:s8], [sflag:s22] =	dma.local [hbm:s6], s20  }
0x9f: {  	_ =	swait.ge [sflag:s22], s20  }
0xa0: {  	s5 =	ssub.s32 $0x0, s20;
	[sflag:s22] =	ssyncset.done $0x0  }
0xa1: {  	[sflag:s22] =	ssyncadd.s32 s5;
	_ =	sdelay $0x1  }
0xa2: {  	s23 =	simm.s32 $0x1B8B  }
0xa3: {  	_ =	swait.ge [sflag:s23], $0x1  }
0xa4: {  	[sflag:s23] =	ssyncset.done $0x0  }
0xa5: {  	s25 =	simm.s32 $0x1B8E;
	s24 =	sld [smem:$0x3FFE];
	[sflag:s23] =	ssyncadd.s32 $0xFFFFFFFF  }
0xa6: {  	s26 =	simm.s32 $execute0_lowered;
	[smem:$0x3FD2] =	sst s25  }
0xa7: {  	s6 =	sshll.u32 s26, $0x1;
	_ =	strace $0x80000046;
	[dreg:$0x1] =	wrdreg $0xFFFFFFFF  }
0xa8: {  	s28 =	simm.s32 $_size_execute0_lowered;
	s4 =	sadd.s32 s4, s6;
	[dreg:$0x0] =	wrdreg $0x0  }
0xa9: {  	s6 =	sshll.u32 s28, $0x1;
	[dreg:$0x2] =	wrdreg s4  }
0xaa: {  	[dreg:$0x3] =	wrdreg s6  }
0xab: {  	[dreg:$0x4] =	wrdreg $0xC0  }
0xac: {  	_ =	task [dreg:s8], $0x5FFFF  }
0xad: {  	[dreg:$0x1] =	wrdreg $0xFFFFFFFF  }
0xae: {  	[dreg:$0x0] =	wrdreg $0x60  }
0xaf: {  	[dreg:$0x2] =	wrdreg s18  }
0xb0: {  	[dreg:$0x3] =	wrdreg s2  }
0xb1: {  	[dreg:$0x4] =	wrdreg s24  }
0xb2: {  	[dreg:$0x5] =	wrdreg $0xB8000  }
0xb3: {  	[dreg:$0x6] =	wrdreg $0x9  }
0xb4: {  	_ =	task.clear_ibuf [dreg:s8], $0x7FFFF;
	_ =	strace $0x90000046  }
0xb5: {  	s29 =	simm.s32 $0x9;
	_ =	strace $0x80000048  }
0xb6: {  	_ =	swait.ge [sflag:s29], $0x1  }
0xb7: {  	[sflag:s29] =	ssyncadd.s32 $0xFFFFFFFF  }
0xb8: {  	_ =	strace $0x90000048  }
0xb9: {  	_ =	sfence  }
0xba: {  	s30 =	sld [smem:$0x0];
	_ =	sdelay $0x2  }
0xbb: {  	s31 =	sshll.u32 s1, $0xD;
	s1 =	sshrl.u32 s1, $0x2  }
0xbc: {  	s3 =	sand.u32 $0x4000, s31;
	s1 =	sadd.s32 s1, s30  }
0xbd: {  	s0 =	sor.u32 s3, s0;
	s1 =	sshll.u32 s1, $0x11  }
0xbe: {  	s0 =	sor.u32 s1, s0  }
0xbf: {  	s0 =	sadd.s32 $0x8F2B, s0  }
0xc0: {  	[sflag:s0] =	ssyncadd.remote.s32 $0x1  }
0xc1: {  	_ =	sfence.sel $0xFFFF  }
0xc2: {  	[dreg:$0x0] =	wrdreg $0xFFFFFFFF;
	(pc) =	sbr.abs _section_cstart, $3  }
0xc3: {  	[dreg:$0x1] =	wrdreg $0xFFFFFFFF  }
0xc4: {  	_ =	task.clear_ibuf [dreg:s8], $0x2FFFF;
	_ =	strace $0x9FFFFFFF  }
0xc5: {  	(tm) =	ssettm $0x7FFFFFFF  }
tec
execute0_lowered:
.L_overlay_start_1:
0x0: {  	(tag) =	ssettag $0x1  }
0x1: {  	s0 =	rddreg [dreg:$0x0]  }
0x2: {  	s1 =	rddreg [dreg:$0x1]  }
0x3: {  	s4 =	rddreg [dreg:$0x2]  }
0x4: {  	s3 =	srdreg.scid;
	s14 =	stileid.u32  }
0x5: {  	s2 =	rddreg [dreg:$0x3];
	s28 =	simm.s32 $0x5000;
	s29 =	simm.s32 $0x3  }
0x6: {  	s30 =	simm.s32 $0x2;
	s31 =	simm.s32 $0x1;
	s5 =	sand.u32 $0x1, s3  }
0x7: {  	s6 =	sshll.u32 s14, $0x1;
	s3 =	simm.s32 $0x0;
	s4 =	sadd.s32 $0x1400, s4  }
0x8: {  	s10 =	smul.u32 $0x14000, s14;
	s6 =	sor.u32 s5, s6;
	s7 =	ssub.s32 $0x2, s5  }
0x9: {  	[smem:$0x7FF] =	sst s3;
	s12 =	smul.u32 $0x27100, s6;
	s8 =	sshrl.u32 s7, $0x1  }
0xa: {  	s9 =	sshll.u32 s6, $0xB;
	s6 =	smul.u32 $0x138800, s6;
	s16 =	sor.u32 $0x2800, s10  }
0xb: {  	s17 =	sadd.s32 $0x5000, s10;
	s18 =	sadd.s32 $0x7800, s10;
	s19 =	sadd.s32 $0xA000, s10  }
0xc: {  	s20 =	sadd.s32 $0xC800, s10;
	s21 =	sadd.s32 $0xF000, s10;
	s22 =	sadd.s32 $0x11800, s10  }
0xd: {  	s23 =	ssub.s32 s7, s8;
	s0 =	sadd.s32 s9, s0;
	s9 =	smul.u32 $0x140000, s5  }
0xe: {  	s12 =	sadd.s32 s1, s12;
	s6 =	sshrl.u32 s6, $0x3;
	s23 =	smax.u32 s23, $0x1  }
0xf: {  	s25 =	sadd.s32 s10, s9;
	s26 =	sadd.s32 s9, s16;
	s13 =	sadd.s32 s9, s17  }
0x10: {  	s15 =	sadd.s32 s9, s18;
	s24 =	sadd.s32 s9, s19;
	s6 =	sadd.s32 s1, s6  }
0x11: {  	s16 =	sadd.s32 s16, s2;
	s17 =	sadd.s32 s17, s2;
	s18 =	sadd.s32 s18, s2  }
0x12: {  	s19 =	sadd.s32 s19, s2;
	s7 =	sshrl.u32 s25, $0x3;
	s8 =	sshrl.u32 s26, $0x3  }
0x13: {  	s25 =	sshrl.u32 s15, $0x3;
	s26 =	sshrl.u32 s24, $0x3;
	s24 =	smul.u32 $0x4E200, s14  }
0x14: {  	s14 =	smul.u32 $0x50000, s14;
	s7 =	sadd.s32 s4, s7;
	s11 =	sadd.s32 s4, s8  }
0x15: {  	s8 =	sadd.s32 s4, s26;
	s26 =	smul.u32 $0x27100, s5;
	[dreg:$0x5] =	wrdreg s7  }
0x16: {  	[dreg:$0x6] =	wrdreg s11;
	s7 =	sshrl.u32 s13, $0x3;
	s11 =	sadd.s32 s9, s21  }
0x17: {  	s13 =	sadd.s32 s9, s22;
	s1 =	sadd.s32 s24, s1;
	s21 =	sadd.s32 s21, s2  }
0x18: {  	s22 =	sadd.s32 s22, s2;
	s7 =	sadd.s32 s4, s7;
	s11 =	sshrl.u32 s11, $0x3  }
0x19: {  	s15 =	sshrl.u32 s13, $0x3;
	s13 =	sadd.s32 $0x10000, s0;
	s0 =	sadd.s32 s26, s1  }
0x1a: {  	s1 =	simm.s32 $0x50;
	[dreg:$0x7] =	wrdreg s7;
	s7 =	sadd.s32 s4, s25  }
.Ltmp0:
0x1b: {  	s25 =	sshrl.u32 s14, $0x2;
	s14 =	sadd.s32 $0x500, s6;
	(pc) =	sbr.rel .LBB2_1-.Ltmp0, $4  }
0x1c: {  	s5 =	sadd.s32 $0xA00, s0;
	[dreg:$0x8] =	wrdreg s7;
	s7 =	sadd.s32 s9, s20  }
0x1d: {  	s0 =	simm.s32 $0x0;
	s20 =	sadd.s32 s20, s2;
	s10 =	sshrl.u32 s7, $0x3  }
0x1e: {  	_ =	strace $0x80000047;
	s9 =	sadd.s32 s4, s10;
	s10 =	sadd.s32 s4, s11  }
0x1f: {  	v0 =	vimm.f32 $0.0e+00;
	s11 =	sadd.s32 s4, s15;
	s15 =	sadd.s32 s25, s2;
	s25 =	simm.s32 $0x7800  }
.LBB2_9:
0x20: {  	_ =	swait.ge [sflag:s30], $0x2800  }
0x21: {  	[sflag:s30] =	ssyncset.done $0x0  }
0x22: {  	[sflag:s30] =	ssyncadd.s32 $0xFFFFD800  }
0x23: {  	[bflag:$0x0] =	sbarrier.arrive $0xFFFF  }
0x24: {  	[tilespmem:s3], [sflag:$0x3] =	stream.linear.gather [spmem:s15], $0x2800, $0x38;
	[tilespmem:$0x1F800] =	vst v63  }
0x25: {  	_ =	swait.ge [sflag:s29], $0x2800  }
0x26: {  	[sflag:s29] =	ssyncset.done $0x0  }
0x27: {  	s4 =	rddreg [dreg:$0x5];
	[sflag:s29] =	ssyncadd.s32 $0xFFFFD800  }
0x28: {  	[hbm4b:s4+s3] =	stream.linear.scatter [tilespmem:s3], [sflag:$0x3], $0x2800, $0x38;
	[tilespmem:$0x1F800] =	vst v63  }
0x29: {  	_ =	swait.ge [sflag:s29], $0x2800  }
0x2a: {  	[sflag:s29] =	ssyncset.done $0x0  }
0x2b: {  	[sflag:s29] =	ssyncadd.s32 $0xFFFFD800  }
0x2c: {  	[tilespmem:s3], [sflag:$0x3] =	stream.linear.gather [spmem:s16], $0x2800, $0x38;
	[tilespmem:$0x1F800] =	vst v63  }
0x2d: {  	_ =	swait.ge [sflag:s29], $0x2800  }
0x2e: {  	[sflag:s29] =	ssyncset.done $0x0  }
0x2f: {  	s7 =	rddreg [dreg:$0x6];
	[sflag:s29] =	ssyncadd.s32 $0xFFFFD800  }
0x30: {  	[hbm4b:s7+s3] =	stream.linear.scatter [tilespmem:s3], [sflag:$0x3], $0x2800, $0x38;
	[tilespmem:$0x1F800] =	vst v63  }
0x31: {  	_ =	swait.ge [sflag:s29], $0x2800  }
0x32: {  	[sflag:s29] =	ssyncset.done $0x0  }
0x33: {  	[sflag:s29] =	ssyncadd.s32 $0xFFFFD800  }
0x34: {  	[tilespmem:s3], [sflag:$0x3] =	stream.linear.gather [spmem:s17], $0x2800, $0x38;
	[tilespmem:$0x1F800] =	vst v63  }
0x35: {  	_ =	swait.ge [sflag:s29], $0x2800  }
0x36: {  	[sflag:s29] =	ssyncset.done $0x0  }
0x37: {  	s24 =	rddreg [dreg:$0x7];
	[sflag:s29] =	ssyncadd.s32 $0xFFFFD800  }
0x38: {  	[hbm4b:s24+s3] =	stream.linear.scatter [tilespmem:s3], [sflag:$0x3], $0x2800, $0x38;
	[tilespmem:$0x1F800] =	vst v63  }
0x39: {  	_ =	swait.ge [sflag:s29], $0x2800  }
0x3a: {  	[sflag:s29] =	ssyncset.done $0x0  }
0x3b: {  	[sflag:s29] =	ssyncadd.s32 $0xFFFFD800  }
0x3c: {  	[tilespmem:s3], [sflag:$0x3] =	stream.linear.gather [spmem:s18], $0x2800, $0x38;
	[tilespmem:$0x1F800] =	vst v63  }
0x3d: {  	_ =	swait.ge [sflag:s29], $0x2800  }
0x3e: {  	[sflag:s29] =	ssyncset.done $0x0  }
0x3f: {  	s26 =	rddreg [dreg:$0x8];
	[sflag:s29] =	ssyncadd.s32 $0xFFFFD800  }
0x40: {  	[hbm4b:s26+s3] =	stream.linear.scatter [tilespmem:s3], [sflag:$0x3], $0x2800, $0x38;
	[tilespmem:$0x1F800] =	vst v63  }
0x41: {  	_ =	swait.ge [sflag:s29], $0x2800  }
0x42: {  	[sflag:s29] =	ssyncset.done $0x0  }
0x43: {  	[sflag:s29] =	ssyncadd.s32 $0xFFFFD800  }
0x44: {  	[tilespmem:s3], [sflag:$0x3] =	stream.linear.gather [spmem:s19], $0x2800, $0x38;
	[tilespmem:$0x1F800] =	vst v63  }
0x45: {  	_ =	swait.ge [sflag:s29], $0x2800  }
0x46: {  	[sflag:s29] =	ssyncset.done $0x0  }
0x47: {  	[sflag:s29] =	ssyncadd.s32 $0xFFFFD800  }
0x48: {  	[hbm4b:s8+s3] =	stream.linear.scatter [tilespmem:s3], [sflag:$0x3], $0x2800, $0x38;
	[tilespmem:$0x1F800] =	vst v63  }
0x49: {  	_ =	swait.ge [sflag:s29], $0x2800  }
0x4a: {  	[sflag:s29] =	ssyncset.done $0x0  }
0x4b: {  	[sflag:s29] =	ssyncadd.s32 $0xFFFFD800  }
0x4c: {  	[tilespmem:s3], [sflag:$0x3] =	stream.linear.gather [spmem:s20], $0x2800, $0x38;
	[tilespmem:$0x1F800] =	vst v63  }
0x4d: {  	_ =	swait.ge [sflag:s29], $0x2800  }
0x4e: {  	[sflag:s29] =	ssyncset.done $0x0  }
0x4f: {  	[sflag:s29] =	ssyncadd.s32 $0xFFFFD800  }
0x50: {  	[hbm4b:s9+s3] =	stream.linear.scatter [tilespmem:s3], [sflag:$0x3], $0x2800, $0x38;
	[tilespmem:$0x1F800] =	vst v63  }
0x51: {  	_ =	swait.ge [sflag:s29], $0x2800  }
0x52: {  	[sflag:s29] =	ssyncset.done $0x0  }
0x53: {  	[sflag:s29] =	ssyncadd.s32 $0xFFFFD800  }
0x54: {  	[tilespmem:s3], [sflag:$0x3] =	stream.linear.gather [spmem:s21], $0x2800, $0x38;
	[tilespmem:$0x1F800] =	vst v63  }
0x55: {  	_ =	swait.ge [sflag:s29], $0x2800  }
0x56: {  	[sflag:s29] =	ssyncset.done $0x0  }
0x57: {  	[sflag:s29] =	ssyncadd.s32 $0xFFFFD800  }
0x58: {  	[hbm4b:s10+s3] =	stream.linear.scatter [tilespmem:s3], [sflag:$0x3], $0x2800, $0x38;
	[tilespmem:$0x1F800] =	vst v63  }
0x59: {  	_ =	swait.ge [sflag:s29], $0x2800  }
0x5a: {  	[sflag:s29] =	ssyncset.done $0x0  }
0x5b: {  	[sflag:s29] =	ssyncadd.s32 $0xFFFFD800  }
0x5c: {  	[tilespmem:s3], [sflag:$0x3] =	stream.linear.gather [spmem:s22], $0x2800, $0x38;
	[tilespmem:$0x1F800] =	vst v63  }
0x5d: {  	s0 =	sadd.s32 $0x1, s0;
	_ =	swait.ge [sflag:s29], $0x2800  }
0x5e: {  	p0 =	sne.s32 s0, s23;
	[sflag:s29] =	ssyncset.done $0x0  }
.Ltmp1:
0x5f: {  	[sflag:s29] =	ssyncadd.s32 $0xFFFFD800;
	(pc) =	sbr.rel @!p0 .LBB2_10-.Ltmp1, $4  }
0x60: {  	[hbm4b:s11+s3] =	stream.linear.scatter [tilespmem:s3], [sflag:$0x3], $0x2800, $0x38;
	[tilespmem:$0x1F800] =	vst v63  }
0x61: {  	_ =	swait.ge [sflag:s29], $0x2800  }
0x62: {  	[sflag:s29] =	ssyncset.done $0x0  }
0x63: {  	[sflag:s29] =	ssyncadd.s32 $0xFFFFD800  }
.LBB2_1:
0x64: {  	[tilespmem:s25], [sflag:$0x2] =	stream.linear.gather [hbm4b:s13+s3], $0x3E80, $0x38;
	[tilespmem:$0x1F800] =	vst v63  }
0x65: {  	_ = 	snop  }
0x66: {  	[tilespmem:s3], [sflag:$0x1] =	stream.linear.gather [hbm4b:s12+s3], $0x2800, $0x38;
	[tilespmem:$0x1F800] =	vst v63  }
0x67: {  	s4 =	simm.s32 $0x2800  }
0x68: {  	[tilespmem:s4], [sflag:$0x1] =	stream.linear.gather [hbm4b:s14+s3], $0x2800, $0x38;
	[tilespmem:$0x1F800] =	vst v63  }
0x69: {  	s24 =	simm.s32 $0x200;
	s4 =	simm.s32 $0x0  }
.LBB2_2:
0x6a: {  	p0 =	sne.s32 s24, $0x9E00;
	[tilespmem:s4+$0x5070] =	vst v0  }
0x6b: {  	[tilespmem:s4+$0x5000] =	vst v0  }
0x6c: {  	[tilespmem:s4+$0x5010] =	vst v0  }
.Ltmp2:
0x6d: {  	[tilespmem:s4+$0x5020] =	vst v0;
	(pc) =	sbr.rel @p0 .LBB2_2-.Ltmp2, $4  }
0x6e: {  	[tilespmem:s4+$0x5030] =	vst v0  }
0x6f: {  	[tilespmem:s4+$0x5040] =	vst v0  }
0x70: {  	[tilespmem:s4+$0x5050] =	vst v0  }
0x71: {  	[tilespmem:s4+$0x5060] =	vst v0;
	s4 =	sshra.s32 s24, $0x2;
	s24 =	sadd.s32 $0x200, s24  }
0x72: {  	[tilespmem:s4+$0x5070] =	vst v0  }
0x73: {  	[tilespmem:s4+$0x5000] =	vst v0  }
0x74: {  	[tilespmem:s4+$0x5010] =	vst v0  }
0x75: {  	[tilespmem:s4+$0x5020] =	vst v0  }
0x76: {  	[tilespmem:s4+$0x5030] =	vst v0  }
0x77: {  	[tilespmem:s4+$0x5040] =	vst v0  }
0x78: {  	[tilespmem:s4+$0x5050] =	vst v0  }
0x79: {  	[tilespmem:s4+$0x5060] =	vst v0  }
0x7a: {  	[spmem:s15] =	stream.linear.scatter [tilespmem:s28], [sflag:$0x3], $0x2800, $0x38;
	[tilespmem:$0x1F800] =	vst v63  }
0x7b: {  	_ =	swait.ge [sflag:s29], $0x2800  }
0x7c: {  	[sflag:s29] =	ssyncset.done $0x0  }
0x7d: {  	[sflag:s29] =	ssyncadd.s32 $0xFFFFD800  }
0x7e: {  	[spmem:s16] =	stream.linear.scatter [tilespmem:s28], [sflag:$0x3], $0x2800, $0x38;
	[tilespmem:$0x1F800] =	vst v63  }
0x7f: {  	_ =	swait.ge [sflag:s29], $0x2800  }
0x80: {  	[sflag:s29] =	ssyncset.done $0x0  }
0x81: {  	[sflag:s29] =	ssyncadd.s32 $0xFFFFD800  }
0x82: {  	[spmem:s17] =	stream.linear.scatter [tilespmem:s28], [sflag:$0x3], $0x2800, $0x38;
	[tilespmem:$0x1F800] =	vst v63  }
0x83: {  	_ =	swait.ge [sflag:s29], $0x2800  }
0x84: {  	[sflag:s29] =	ssyncset.done $0x0  }
0x85: {  	[sflag:s29] =	ssyncadd.s32 $0xFFFFD800  }
0x86: {  	[spmem:s18] =	stream.linear.scatter [tilespmem:s28], [sflag:$0x3], $0x2800, $0x38;
	[tilespmem:$0x1F800] =	vst v63  }
0x87: {  	_ =	swait.ge [sflag:s29], $0x2800  }
0x88: {  	[sflag:s29] =	ssyncset.done $0x0  }
0x89: {  	[sflag:s29] =	ssyncadd.s32 $0xFFFFD800  }
0x8a: {  	[spmem:s19] =	stream.linear.scatter [tilespmem:s28], [sflag:$0x3], $0x2800, $0x38;
	[tilespmem:$0x1F800] =	vst v63  }
0x8b: {  	_ =	swait.ge [sflag:s29], $0x2800  }
0x8c: {  	[sflag:s29] =	ssyncset.done $0x0  }
0x8d: {  	[sflag:s29] =	ssyncadd.s32 $0xFFFFD800  }
0x8e: {  	[spmem:s20] =	stream.linear.scatter [tilespmem:s28], [sflag:$0x3], $0x2800, $0x38;
	[tilespmem:$0x1F800] =	vst v63  }
0x8f: {  	_ =	swait.ge [sflag:s29], $0x2800  }
0x90: {  	[sflag:s29] =	ssyncset.done $0x0  }
0x91: {  	[sflag:s29] =	ssyncadd.s32 $0xFFFFD800  }
0x92: {  	[spmem:s21] =	stream.linear.scatter [tilespmem:s28], [sflag:$0x3], $0x2800, $0x38;
	[tilespmem:$0x1F800] =	vst v63  }
0x93: {  	_ =	swait.ge [sflag:s29], $0x2800  }
0x94: {  	[sflag:s29] =	ssyncset.done $0x0  }
0x95: {  	[sflag:s29] =	ssyncadd.s32 $0xFFFFD800  }
0x96: {  	[spmem:s22] =	stream.linear.scatter [tilespmem:s28], [sflag:$0x3], $0x2800, $0x38;
	[tilespmem:$0x1F800] =	vst v63  }
0x97: {  	_ =	swait.ge [sflag:s29], $0x2800  }
0x98: {  	[sflag:s29] =	ssyncset.done $0x0  }
0x99: {  	[sflag:s29] =	ssyncadd.s32 $0xFFFFD800  }
.Ltmp3:
0x9a: {  	_ =	swait.ge [sflag:s30], $0x3E80;
	(pc) =	sbr.rel .LBB2_4-.Ltmp3, $4  }
0x9b: {  	[sflag:s30] =	ssyncset.done $0x0  }
0x9c: {  	[sflag:s30] =	ssyncadd.s32 $0xFFFFC180  }
0x9d: {  	[bflag:$0x0] =	sbarrier.arrive $0xFFFF  }
0x9e: {  	s26 =	simm.s32 $0x0;
	s4 =	simm.s32 $0x7800;
	s24 =	smov.u32 s5  }
.LBB2_5:
0x9f: {  	[spmem:s2] =	stream.indirect.scatter.add.f32 [tilespmem:s6], [sflag:$0x2], $0x80, s25, s1, $0xb8;
	[tilespmem:$0x1F800] =	vst v63  }
.LBB2_7:
0xa0: {  	s6 =	sadd.s32 $0x2, s26  }
0xa1: {  	s7 =	smul.u32 $0xAB, s6;
	_ =	sdelay $0x1  }
0xa2: {  	s7 =	sshrl.u32 s7, $0x9  }
0xa3: {  	s7 =	sand.u32 $0x7F, s7  }
0xa4: {  	s7 =	smul.u32 $0x3, s7;
	_ =	sdelay $0x1  }
0xa5: {  	s6 =	ssub.s32 s6, s7  }
0xa6: {  	s6 =	sand.u32 $0xFF, s6  }
0xa7: {  	s6 =	smul.u32 $0xA000, s6;
	_ =	sdelay $0x1  }
0xa8: {  	s6 =	sshrl.u32 s6, $0x2  }
0xa9: {  	[tilespmem:s6], [sflag:$0x1] =	stream.linear.gather [hbm4b:s24+s3], $0x2800, $0x38;
	[tilespmem:$0x1F800] =	vst v63  }
.LBB2_8:
0xaa: {  	s26 =	sadd.s32 $0x1, s26  }
0xab: {  	p0 =	sne.s32 s26, $0x7D  }
.Ltmp4:
0xac: {  	_ = 	snop;
	(pc) =	sbr.rel @!p0 .LBB2_9-.Ltmp4, $2  }
0xad: {  	_ =	sdelay $0x2  }
0xae: {  	s4 =	sadd.s32 $0x80, s4;
	s24 =	sadd.s32 $0x500, s24  }
.LBB2_4:
0xaf: {  	s6 =	smul.u32 $0xAB, s26;
	_ =	sdelay $0x1  }
0xb0: {  	s6 =	sshrl.u32 s6, $0x9  }
0xb1: {  	s6 =	sand.u32 $0x7F, s6  }
0xb2: {  	s6 =	smul.u32 $0x3, s6  }
0xb3: {  	p0 =	sne.s32 s26, $0x0  }
.Ltmp5:
0xb4: {  	s6 =	ssub.s32 s26, s6;
	(pc) =	sbr.rel @!p0 .LBB2_5-.Ltmp5, $4  }
0xb5: {  	s6 =	sand.u32 $0xFF, s6  }
0xb6: {  	_ =	swait.ge [sflag:s31], $0x2800;
	s6 =	smul.u32 $0xA000, s6  }
0xb7: {  	[sflag:s31] =	ssyncset.done $0x0  }
0xb8: {  	[sflag:s31] =	ssyncadd.s32 $0xFFFFD800;
	s6 =	sshrl.u32 s6, $0x2  }
0xb9: {  	p0 =	sgt.u32 s26, $0x7A  }
.Ltmp6:
0xba: {  	_ = 	snop;
	(pc) =	sbr.rel @p0 .LBB2_8-.Ltmp6, $4  }
.Ltmp7:
0xbb: {  	_ =	swait.ge [sflag:s30], $0x2800;
	(pc) =	sbr.rel @!p0 .LBB2_7-.Ltmp7, $4  }
0xbc: {  	[sflag:s30] =	ssyncset.done $0x0  }
0xbd: {  	[sflag:s30] =	ssyncadd.s32 $0xFFFFD800  }
0xbe: {  	[spmem:s2] =	stream.indirect.scatter.add.f32 [tilespmem:s6], [sflag:$0x2], $0x80, s4, s1, $0xb8;
	[tilespmem:$0x1F800] =	vst v63  }
0xbf: {  	_ = 	snop  }
.LBB2_10:
0xc0: {  	_ =	sfence.sel $0x180000  }
0xc1: {  	[bflag:$0x0] =	sbarrier.arrive $0xFFFF  }
0xc2: {  	_ =	strace $0x90000047  }
0xc3: {  	s0 =	stileid.u32;
	[bflag:$0x2] =	sbarrier.arrive $0xFFFF  }
0xc4: {  	p0 =	sne.s32 s0, $0x0;
	s0 =	rddreg [dreg:$0x4]  }
0xc5: {  	s0 =	sadd.s32 @!p0 $0x100000, s0  }
0xc6: {  	[sflag:s0] =	ssyncadd.tile.s32 @!p0 $0x1;
	_ =	shalt  }
.Lfunc_end2:
_tile_overlayer_lowered:
.L_overlay_start_2:
0xc7: {  	(tag) =	ssettag $0x2  }
0xc8: {  	s0 =	rddreg [dreg:$0x0];
	s2 =	stileid.u32  }
0xc9: {  	s1 =	rddreg [dreg:$0x1];
	p0 =	sne.s32 s2, $0x0  }
0xca: {  	s3 =	rddreg [dreg:$0x2];
	[bflag:$0x3] =	sbarrier.arrive $0xFFFF;
	s2 =	simm.s32 @!p0 $0x1C03  }
0xcb: {  	[timem:s3], [sflag:s2] =	dma.local @!p0 [hbm:s0], s1  }
0xcc: {  	s0 =	simm.s32 @!p0 $0x3  }
0xcd: {  	_ =	swait.ge @!p0 [sflag:s0], s1  }
0xce: {  	s1 =	ssub.s32 @!p0 $0x0, s1;
	[sflag:s0] =	ssyncset.done @!p0 $0x0  }
0xcf: {  	[sflag:s0] =	ssyncadd.s32 @!p0 s1  }
0xd0: {  	[bflag:$0x3] =	sbarrier.arrive $0xFFFF  }
0xd1: {  	_ =	shalt  }

</sc_bundles>
